<compile_context>
chip_gen: v7x
topology: tpu7x:2x2x1
jax: 0.10.2.dev20260603
libtpu: 0.0.44.dev20260713+nightly
codegen_flags: <defaults>
</compile_context>

<pallas_src>
import functools

import jax
import jax.numpy as jnp
from jax import lax
from jax.experimental import pallas as pl
from jax.experimental.pallas import tpu as pltpu
from jax.experimental.pallas import tpu_sc as plsc

MASK_ID = 0
K = 8
T = 8
NW = 32
LANES = 16
NCOEF = 10


def _stats_kernel(cnt_ref, ids_ref, omg_ref, p_hbm, idx_init_ref,
                  coef_init_ref, idx_ref, coef_ref, p_vmem, sem, *, V, NBC):
    cnt = cnt_ref[0]
    r_s = omg_ref[0]
    r_a = omg_ref[1]
    r_b = omg_ref[2]
    idx_ref[...] = idx_init_ref[...]
    coef_ref[...] = coef_init_ref[...]

    def block_body(b, carry):
        @pl.when(b * T < cnt)
        def _compute():
            toks = [ids_ref[b * T + j] for j in range(T)]
            cps = []
            for j in range(T):
                cps.append(pltpu.make_async_copy(
                    p_hbm.at[pl.ds(toks[j], 1), :],
                    p_vmem.at[pl.ds(j, 1), :], sem))
            for cp in cps:
                cp.start()
            for cp in cps:
                cp.wait()
            p = p_vmem[...]
            col = jax.lax.broadcasted_iota(jnp.int32, (T, V), 1)
            safe = jnp.where(p > 0.0, p, 1.0)
            ent = jnp.sum(jnp.where(p > 0.0, -p * jnp.log(safe), 0.0), axis=1)
            pz = jnp.where(col == MASK_ID, -1.0, p)
            vals = []
            idxs = []
            for _ in range(K):
                m = jnp.max(pz, axis=1)
                am = jnp.min(jnp.where(pz == m[:, None], col, V), axis=1)
                vals.append(m)
                idxs.append(am)
                pz = jnp.where(col == am[:, None], -1.0, pz)
            vals = jnp.stack(vals, axis=1)
            idxs = jnp.stack(idxs, axis=1)
            w = vals / (jnp.sum(vals, axis=1, keepdims=True) + 1e-10)
            lam = r_s * jax.nn.sigmoid(r_a * (r_b - ent))
            crow = jnp.concatenate(
                [(1.0 - lam)[:, None], jnp.zeros((T, 1), jnp.float32),
                 lam[:, None] * w], axis=1)
            coef_blk = jnp.broadcast_to(
                crow[:, :, None], (T, NCOEF, LANES))
            tokcol = jnp.stack(toks, axis=0).astype(jnp.int32)[:, None]
            irow = jnp.concatenate([tokcol, idxs], axis=1)
            for j in range(T):
                @pl.when(b * T + j < cnt)
                def _store(j=j):
                    idx_ref[pl.ds(toks[j], 1)] = irow[j][None]
                    coef_ref[pl.ds(toks[j], 1)] = coef_blk[j][None]

        return carry

    lax.fori_loop(0, NBC, block_body, 0)


def _sc_combine(t_per_w, n_chunk, idx_minor, H, table_hbm, idx_hbm, coef_hbm,
                out_hbm, idx_v, rows_v, mask_v, coef_v, out_v, sem):
    wid = lax.axis_index("s") * 2 + lax.axis_index("c")
    pltpu.sync_copy(idx_hbm.at[wid], idx_v)
    pltpu.sync_copy(coef_hbm.at[wid], coef_v)
    pltpu.sync_copy(table_hbm.at[MASK_ID], mask_v)
    cps = []
    for c in range(n_chunk):
        cps.append(pltpu.async_copy(
            table_hbm.at[idx_v.at[c]],
            rows_v.at[pl.ds(c * idx_minor, idx_minor)], sem))
    for cp in cps:
        cp.wait()

    nch = H // LANES

    def token_body(j, carry):
        cbase = j * (NCOEF * LANES)
        rbase = j * (1 + K)
        for c in range(nch):
            sl = pl.ds(c * LANES, LANES)
            acc = coef_v[pl.ds(cbase, LANES)] * mask_v[sl]
            for k in range(1 + K):
                cf = coef_v[pl.ds(cbase + (1 + k) * LANES, LANES)]
                acc = acc + cf * rows_v[rbase + k, sl]
            out_v[j, sl] = acc
        return carry

    lax.fori_loop(0, t_per_w, token_body, 0)
    pltpu.sync_copy(out_v, out_hbm.at[pl.ds(wid * t_per_w, t_per_w)])


def kernel(x_t, probs, embedding_weight, omega_s, omega_a, omega_b):
    B, S, V = probs.shape
    H = embedding_weight.shape[1]
    N = B * S
    NB = N // T
    p2 = probs.reshape(N, V).astype(jnp.float32)
    xt = x_t.reshape(N).astype(jnp.int32)

    is_mask_b = xt == MASK_ID
    cnt = jnp.sum(is_mask_b.astype(jnp.int32)).reshape(1)
    comp_ids = jnp.argsort(jnp.where(is_mask_b, 0, 1), stable=True)
    comp_ids = comp_ids.astype(jnp.int32)
    omg = jnp.stack([
        jnp.clip(omega_s, 0.0, 1.0).astype(jnp.float32),
        jax.nn.softplus(omega_a).astype(jnp.float32),
        jax.nn.softplus(omega_b).astype(jnp.float32),
    ])

    spread = (jnp.arange(N * K, dtype=jnp.int32) % (V - 1) + 1).reshape(N, K)
    idx_init = jnp.concatenate([xt[:, None], spread], axis=1)
    coef_init = jnp.broadcast_to(
        (jnp.arange(NCOEF) == 1).astype(jnp.float32)[None, :, None],
        (N, NCOEF, LANES))

    idx, coef16 = pl.pallas_call(
        functools.partial(_stats_kernel, V=V, NBC=NB),
        grid_spec=pltpu.PrefetchScalarGridSpec(
            num_scalar_prefetch=3,
            grid=(1,),
            in_specs=[
                pl.BlockSpec(memory_space=pl.ANY),
                pl.BlockSpec((N, 1 + K), lambda i, c, d, o: (0, 0)),
                pl.BlockSpec((N, NCOEF, LANES), lambda i, c, d, o: (0, 0, 0)),
            ],
            out_specs=[
                pl.BlockSpec((N, 1 + K), lambda i, c, d, o: (0, 0)),
                pl.BlockSpec((N, NCOEF, LANES), lambda i, c, d, o: (0, 0, 0)),
            ],
            scratch_shapes=[
                pltpu.VMEM((T, V), jnp.float32),
                pltpu.SemaphoreType.DMA,
            ],
        ),
        out_shape=[
            jax.ShapeDtypeStruct((N, 1 + K), jnp.int32),
            jax.ShapeDtypeStruct((N, NCOEF, LANES), jnp.float32),
        ],
    )(cnt, comp_ids, omg, p2, idx_init, coef_init)

    t_per_w = N // NW
    rows_per_w = t_per_w * (1 + K)
    idx_minor = 96
    n_chunk = rows_per_w // idx_minor
    idx_arr = idx.reshape(NW, n_chunk, idx_minor)
    coef16 = coef16.reshape(NW, t_per_w * NCOEF * LANES)

    table = embedding_weight.astype(jnp.float32)

    sc_combine = functools.partial(
        pl.kernel,
        out_type=jax.ShapeDtypeStruct((N, H), jnp.float32),
        mesh=plsc.VectorSubcoreMesh(core_axis_name="c", subcore_axis_name="s"),
        scratch_types=[
            pltpu.VMEM((n_chunk, idx_minor), jnp.int32),
            pltpu.VMEM((rows_per_w, H), jnp.float32),
            pltpu.VMEM((H,), jnp.float32),
            pltpu.VMEM((t_per_w * NCOEF * LANES,), jnp.float32),
            pltpu.VMEM((t_per_w, H), jnp.float32),
            pltpu.SemaphoreType.DMA,
        ],
    )(functools.partial(_sc_combine, t_per_w, n_chunk, idx_minor, H))

    out = sc_combine(table, idx_arr, coef16)
    return out.reshape(B, S, H)

# --- scband reference (transcript-rebuilt; emitter-appended) ---
"""Pipeline reference for scband-soft-masking-module-60816736911760 (READ-ONLY COPY).

The authoritative reference and input builder live on the scoring server;
editing this copy changes nothing except your own understanding.
"""

import jax, jax.numpy as jnp
import numpy as np

B, S, V, H = 32, 32, 100000, 128
K = 8
MASK_TOKEN_ID = 0


def setup_inputs(seed: int = 0) -> dict:
    key = jax.random.key(seed)
    k1, k2, k3 = jax.random.split(key, 3)
    x_t = jax.random.randint(k1, (B, S), 0, 100, dtype=jnp.int64 if jax.config.jax_enable_x64 else jnp.int32)
    raw = jax.random.uniform(k2, (B, S, V), dtype=jnp.float32, minval=1e-6, maxval=1.0)
    probs = raw / jnp.sum(raw, axis=-1, keepdims=True)
    embedding_weight = jax.random.normal(k3, (V, H), dtype=jnp.float32) * 0.02
    omega_s = jnp.asarray(0.5, dtype=jnp.float32)
    omega_a = jnp.asarray(0.9, dtype=jnp.float32)
    omega_b = jnp.asarray(0.3, dtype=jnp.float32)
    return {"x_t": x_t, "probs": probs, "embedding_weight": embedding_weight,
            "omega_s": omega_s, "omega_a": omega_a, "omega_b": omega_b}


def _entropy(p):
    safe = jnp.where(p > 0, p, 1.0)
    return jnp.sum(jnp.where(p > 0, -p * jnp.log(safe), 0.0), axis=-1)


def reference(x_t, probs, embedding_weight, omega_s, omega_a, omega_b):
    probs = probs.astype(jnp.float32)
    is_mask = (x_t == MASK_TOKEN_ID)
    # embedding lookup of current tokens (gather)
    real_embeds = jnp.take(embedding_weight, x_t, axis=0)          # (B,S,H)
    mask_embed = embedding_weight[MASK_TOKEN_ID]                    # (H,)
    v0 = jnp.broadcast_to(mask_embed, real_embeds.shape)            # (B,S,H)
    # top-k feedback embeddings (mask token zeroed out)
    p = probs.at[..., MASK_TOKEN_ID].set(0.0)
    topk_probs, topk_idx = jax.lax.top_k(p, K)                      # (B,S,K)
    topk_norm = topk_probs / (jnp.sum(topk_probs, axis=-1, keepdims=True) + 1e-10)
    topk_embeds = jnp.take(embedding_weight, topk_idx, axis=0)      # (B,S,K,H)
    feedback_embeds = jnp.sum(topk_embeds * topk_norm[..., None], axis=2)  # (B,S,H)
    # lambda mixing coefficient
    entropy = _entropy(probs)                                       # (B,S)
    real_omega_s = jnp.clip(omega_s, 0.0, 1.0)
    real_omega_a = jax.nn.softplus(omega_a)
    real_omega_b = -jax.nn.softplus(omega_b)
    inner = real_omega_a * (-entropy - real_omega_b)
    lam = (real_omega_s * jax.nn.sigmoid(inner))[..., None]         # (B,S,1)
    # linear interpolation
    soft_mask_embeds = (1.0 - lam) * v0 + lam * feedback_embeds
    final_embeds = jnp.where(is_mask[..., None], soft_mask_embeds, real_embeds)
    return final_embeds

if __name__ == "__main__":
    import jax
    _d = setup_inputs()
    print(jax.jit(kernel)(*tuple(_d.values())))

</pallas_src>

<mosaic_0001>
#map = affine_map<(d0, d1) -> (0, 0)>
#map1 = affine_map<(d0, d1) -> (0, 0, 0)>
module attributes {stable_mosaic.version = 14 : i64} {
  func.func @_sc_combine(%arg0: i32, %arg1: i32, %arg2: memref<100000x128xf32, #tpu.memory_space<hbm>>, %arg3: memref<32x3x96xi32, #tpu.memory_space<hbm>>, %arg4: memref<32x5120xf32, #tpu.memory_space<hbm>>, %arg5: memref<1024x128xf32, #tpu.memory_space<hbm>>, %arg6: memref<3x96xi32, #tpu.memory_space<vmem>>, %arg7: memref<288x128xf32, #tpu.memory_space<vmem>>, %arg8: memref<128xf32, #tpu.memory_space<vmem>>, %arg9: memref<5120xf32, #tpu.memory_space<vmem>>, %arg10: memref<32x128xf32, #tpu.memory_space<vmem>>, %arg11: memref<!tpu.dma_semaphore, #tpu.memory_space<semaphore_mem>>) attributes {dimension_semantics = [#tpu.dimension_semantics<core_parallel>, #tpu.dimension_semantics<subcore_parallel>], iteration_bounds = array<i64: 2, 16>, scalar_prefetch = 0 : i64, scratch_operands = 6 : i64, tpu.core_type = #tpu.core_type<sc_vector_subcore>, window_params = [{transform_indices = #map}, {transform_indices = #map1}, {transform_indices = #map}, {transform_indices = #map}]} {
    %mul3A = arith.constant 2 : i32
    %mul3A_0 = arith.muli %arg1, %mul3A : i32
    %add3A = arith.addi %mul3A_0, %arg0 : i32
    "tpu.region"() ({
      %run_scoped3A_66 = tpu.sem_alloc : memref<!tpu.dma_semaphore, #tpu.memory_space<semaphore_mem>>
      %dma_start3A_67 = arith.constant 0 : i32
      %dma_start3A_68 = arith.constant 0 : i32
      %dma_start3A_69 = tpu.memref_slice %arg3[%add3A, %dma_start3A_67, %dma_start3A_68] : memref<32x3x96xi32, #tpu.memory_space<hbm>> -> memref<1x3x96xi32, #tpu.memory_space<hbm>>
      %dma_start3A_70 = tpu.memref_squeeze %dma_start3A_69 : memref<1x3x96xi32, #tpu.memory_space<hbm>> -> memref<3x96xi32, #tpu.memory_space<hbm>>
      %dma_start3A_71 = arith.constant 0 : i32
      %dma_start3A_72 = arith.constant 0 : i32
      %dma_start3A_73 = tpu.memref_slice %arg3[%add3A, %dma_start3A_71, %dma_start3A_72] : memref<32x3x96xi32, #tpu.memory_space<hbm>> -> memref<1x3x96xi32, #tpu.memory_space<hbm>>
      %dma_start3A_74 = tpu.memref_squeeze %dma_start3A_73 : memref<1x3x96xi32, #tpu.memory_space<hbm>> -> memref<3x96xi32, #tpu.memory_space<hbm>>
      tpu.enqueue_dma source(%dma_start3A_74 : memref<3x96xi32, #tpu.memory_space<hbm>>) target(%arg6 : memref<3x96xi32, #tpu.memory_space<vmem>>) target_semaphore(%run_scoped3A_66 : memref<!tpu.dma_semaphore, #tpu.memory_space<semaphore_mem>>)
      %dma_wait3A_75 = arith.constant 0 : i32
      %dma_wait3A_76 = arith.constant 0 : i32
      %dma_wait3A_77 = tpu.memref_slice %arg3[%add3A, %dma_wait3A_75, %dma_wait3A_76] : memref<32x3x96xi32, #tpu.memory_space<hbm>> -> memref<1x3x96xi32, #tpu.memory_space<hbm>>
      %dma_wait3A_78 = tpu.memref_squeeze %dma_wait3A_77 : memref<1x3x96xi32, #tpu.memory_space<hbm>> -> memref<3x96xi32, #tpu.memory_space<hbm>>
      %dma_wait3A_79 = arith.constant 0 : i32
      %dma_wait3A_80 = arith.constant 0 : i32
      %dma_wait3A_81 = tpu.memref_slice %arg3[%add3A, %dma_wait3A_79, %dma_wait3A_80] : memref<32x3x96xi32, #tpu.memory_space<hbm>> -> memref<1x3x96xi32, #tpu.memory_space<hbm>>
      %dma_wait3A_82 = tpu.memref_squeeze %dma_wait3A_81 : memref<1x3x96xi32, #tpu.memory_space<hbm>> -> memref<3x96xi32, #tpu.memory_space<hbm>>
      tpu.wait_dma2 semaphore(%run_scoped3A_66 : memref<!tpu.dma_semaphore, #tpu.memory_space<semaphore_mem>>) src(%dma_wait3A_82 : memref<3x96xi32, #tpu.memory_space<hbm>>) dst(%arg6 : memref<3x96xi32, #tpu.memory_space<vmem>>)
      tpu.yield
    }) : () -> ()
    "tpu.region"() ({
      %run_scoped3A_66 = tpu.sem_alloc : memref<!tpu.dma_semaphore, #tpu.memory_space<semaphore_mem>>
      %dma_start3A_67 = arith.constant 0 : i32
      %dma_start3A_68 = tpu.memref_slice %arg4[%add3A, %dma_start3A_67] : memref<32x5120xf32, #tpu.memory_space<hbm>> -> memref<1x5120xf32, #tpu.memory_space<hbm>>
      %dma_start3A_69 = tpu.memref_squeeze %dma_start3A_68 : memref<1x5120xf32, #tpu.memory_space<hbm>> -> memref<5120xf32, #tpu.memory_space<hbm>>
      %dma_start3A_70 = arith.constant 0 : i32
      %dma_start3A_71 = tpu.memref_slice %arg4[%add3A, %dma_start3A_70] : memref<32x5120xf32, #tpu.memory_space<hbm>> -> memref<1x5120xf32, #tpu.memory_space<hbm>>
      %dma_start3A_72 = tpu.memref_squeeze %dma_start3A_71 : memref<1x5120xf32, #tpu.memory_space<hbm>> -> memref<5120xf32, #tpu.memory_space<hbm>>
      tpu.enqueue_dma source(%dma_start3A_72 : memref<5120xf32, #tpu.memory_space<hbm>>) target(%arg9 : memref<5120xf32, #tpu.memory_space<vmem>>) target_semaphore(%run_scoped3A_66 : memref<!tpu.dma_semaphore, #tpu.memory_space<semaphore_mem>>)
      %dma_wait3A_73 = arith.constant 0 : i32
      %dma_wait3A_74 = tpu.memref_slice %arg4[%add3A, %dma_wait3A_73] : memref<32x5120xf32, #tpu.memory_space<hbm>> -> memref<1x5120xf32, #tpu.memory_space<hbm>>
      %dma_wait3A_75 = tpu.memref_squeeze %dma_wait3A_74 : memref<1x5120xf32, #tpu.memory_space<hbm>> -> memref<5120xf32, #tpu.memory_space<hbm>>
      %dma_wait3A_76 = arith.constant 0 : i32
      %dma_wait3A_77 = tpu.memref_slice %arg4[%add3A, %dma_wait3A_76] : memref<32x5120xf32, #tpu.memory_space<hbm>> -> memref<1x5120xf32, #tpu.memory_space<hbm>>
      %dma_wait3A_78 = tpu.memref_squeeze %dma_wait3A_77 : memref<1x5120xf32, #tpu.memory_space<hbm>> -> memref<5120xf32, #tpu.memory_space<hbm>>
      tpu.wait_dma2 semaphore(%run_scoped3A_66 : memref<!tpu.dma_semaphore, #tpu.memory_space<semaphore_mem>>) src(%dma_wait3A_78 : memref<5120xf32, #tpu.memory_space<hbm>>) dst(%arg9 : memref<5120xf32, #tpu.memory_space<vmem>>)
      tpu.yield
    }) : () -> ()
    %run_scoped3A = arith.constant 0 : i32
    "tpu.region"() ({
      %run_scoped3A_66 = tpu.sem_alloc : memref<!tpu.dma_semaphore, #tpu.memory_space<semaphore_mem>>
      %dma_start3A_67 = arith.constant 0 : i32
      %dma_start3A_68 = tpu.memref_slice %arg2[%run_scoped3A, %dma_start3A_67] : memref<100000x128xf32, #tpu.memory_space<hbm>> -> memref<1x128xf32, #tpu.memory_space<hbm>>
      %dma_start3A_69 = tpu.memref_squeeze %dma_start3A_68 : memref<1x128xf32, #tpu.memory_space<hbm>> -> memref<128xf32, #tpu.memory_space<hbm>>
      %dma_start3A_70 = arith.constant 0 : i32
      %dma_start3A_71 = tpu.memref_slice %arg2[%run_scoped3A, %dma_start3A_70] : memref<100000x128xf32, #tpu.memory_space<hbm>> -> memref<1x128xf32, #tpu.memory_space<hbm>>
      %dma_start3A_72 = tpu.memref_squeeze %dma_start3A_71 : memref<1x128xf32, #tpu.memory_space<hbm>> -> memref<128xf32, #tpu.memory_space<hbm>>
      tpu.enqueue_dma source(%dma_start3A_72 : memref<128xf32, #tpu.memory_space<hbm>>) target(%arg8 : memref<128xf32, #tpu.memory_space<vmem>>) target_semaphore(%run_scoped3A_66 : memref<!tpu.dma_semaphore, #tpu.memory_space<semaphore_mem>>)
      %dma_wait3A_73 = arith.constant 0 : i32
      %dma_wait3A_74 = tpu.memref_slice %arg2[%run_scoped3A, %dma_wait3A_73] : memref<100000x128xf32, #tpu.memory_space<hbm>> -> memref<1x128xf32, #tpu.memory_space<hbm>>
      %dma_wait3A_75 = tpu.memref_squeeze %dma_wait3A_74 : memref<1x128xf32, #tpu.memory_space<hbm>> -> memref<128xf32, #tpu.memory_space<hbm>>
      %dma_wait3A_76 = arith.constant 0 : i32
      %dma_wait3A_77 = tpu.memref_slice %arg2[%run_scoped3A, %dma_wait3A_76] : memref<100000x128xf32, #tpu.memory_space<hbm>> -> memref<1x128xf32, #tpu.memory_space<hbm>>
      %dma_wait3A_78 = tpu.memref_squeeze %dma_wait3A_77 : memref<1x128xf32, #tpu.memory_space<hbm>> -> memref<128xf32, #tpu.memory_space<hbm>>
      tpu.wait_dma2 semaphore(%run_scoped3A_66 : memref<!tpu.dma_semaphore, #tpu.memory_space<semaphore_mem>>) src(%dma_wait3A_78 : memref<128xf32, #tpu.memory_space<hbm>>) dst(%arg8 : memref<128xf32, #tpu.memory_space<vmem>>)
      tpu.yield
    }) : () -> ()
    %dma_start3A = arith.constant 0 : i32
    %dma_start3A_1 = arith.constant 0 : i32
    %dma_start3A_2 = arith.constant 0 : i32
    %dma_start3A_3 = tpu.memref_slice %arg7[%dma_start3A_1, %dma_start3A_2] : memref<288x128xf32, #tpu.memory_space<vmem>> -> memref<96x128xf32, #tpu.memory_space<vmem>>
    %dma_start3A_4 = arith.constant 0 : i32
    %dma_start3A_5 = tpu.memref_slice %arg6[%dma_start3A, %dma_start3A_4] : memref<3x96xi32, #tpu.memory_space<vmem>> -> memref<1x96xi32, #tpu.memory_space<vmem>>
    %dma_start3A_6 = tpu.memref_squeeze %dma_start3A_5 : memref<1x96xi32, #tpu.memory_space<vmem>> -> memref<96xi32, #tpu.memory_space<vmem>>
    %dma_start3A_7 = arith.constant 0 : i32
    %dma_start3A_8 = arith.constant 0 : i32
    %dma_start3A_9 = tpu.memref_slice %arg2[%dma_start3A_7, %dma_start3A_8] : memref<100000x128xf32, #tpu.memory_space<hbm>> -> memref<100000x128xf32, #tpu.memory_space<hbm>>
    tpu.enqueue_indirect_dma source(%dma_start3A_9 : memref<100000x128xf32, #tpu.memory_space<hbm>>) target(%dma_start3A_3 : memref<96x128xf32, #tpu.memory_space<vmem>>) offsets(%dma_start3A_6 : memref<96xi32, #tpu.memory_space<vmem>>) semaphore(%arg11 : memref<!tpu.dma_semaphore, #tpu.memory_space<semaphore_mem>>)
    %dma_start3A_10 = arith.constant 1 : i32
    %dma_start3A_11 = arith.constant 96 : i32
    %dma_start3A_12 = arith.constant 0 : i32
    %dma_start3A_13 = tpu.memref_slice %arg7[%dma_start3A_11, %dma_start3A_12] : memref<288x128xf32, #tpu.memory_space<vmem>> -> memref<96x128xf32, #tpu.memory_space<vmem>>
    %dma_start3A_14 = arith.constant 0 : i32
    %dma_start3A_15 = tpu.memref_slice %arg6[%dma_start3A_10, %dma_start3A_14] : memref<3x96xi32, #tpu.memory_space<vmem>> -> memref<1x96xi32, #tpu.memory_space<vmem>>
    %dma_start3A_16 = tpu.memref_squeeze %dma_start3A_15 : memref<1x96xi32, #tpu.memory_space<vmem>> -> memref<96xi32, #tpu.memory_space<vmem>>
    %dma_start3A_17 = arith.constant 0 : i32
    %dma_start3A_18 = arith.constant 0 : i32
    %dma_start3A_19 = tpu.memref_slice %arg2[%dma_start3A_17, %dma_start3A_18] : memref<100000x128xf32, #tpu.memory_space<hbm>> -> memref<100000x128xf32, #tpu.memory_space<hbm>>
    tpu.enqueue_indirect_dma source(%dma_start3A_19 : memref<100000x128xf32, #tpu.memory_space<hbm>>) target(%dma_start3A_13 : memref<96x128xf32, #tpu.memory_space<vmem>>) offsets(%dma_start3A_16 : memref<96xi32, #tpu.memory_space<vmem>>) semaphore(%arg11 : memref<!tpu.dma_semaphore, #tpu.memory_space<semaphore_mem>>)
    %dma_start3A_20 = arith.constant 2 : i32
    %dma_start3A_21 = arith.constant 192 : i32
    %dma_start3A_22 = arith.constant 0 : i32
    %dma_start3A_23 = tpu.memref_slice %arg7[%dma_start3A_21, %dma_start3A_22] : memref<288x128xf32, #tpu.memory_space<vmem>> -> memref<96x128xf32, #tpu.memory_space<vmem>>
    %dma_start3A_24 = arith.constant 0 : i32
    %dma_start3A_25 = tpu.memref_slice %arg6[%dma_start3A_20, %dma_start3A_24] : memref<3x96xi32, #tpu.memory_space<vmem>> -> memref<1x96xi32, #tpu.memory_space<vmem>>
    %dma_start3A_26 = tpu.memref_squeeze %dma_start3A_25 : memref<1x96xi32, #tpu.memory_space<vmem>> -> memref<96xi32, #tpu.memory_space<vmem>>
    %dma_start3A_27 = arith.constant 0 : i32
    %dma_start3A_28 = arith.constant 0 : i32
    %dma_start3A_29 = tpu.memref_slice %arg2[%dma_start3A_27, %dma_start3A_28] : memref<100000x128xf32, #tpu.memory_space<hbm>> -> memref<100000x128xf32, #tpu.memory_space<hbm>>
    tpu.enqueue_indirect_dma source(%dma_start3A_29 : memref<100000x128xf32, #tpu.memory_space<hbm>>) target(%dma_start3A_23 : memref<96x128xf32, #tpu.memory_space<vmem>>) offsets(%dma_start3A_26 : memref<96xi32, #tpu.memory_space<vmem>>) semaphore(%arg11 : memref<!tpu.dma_semaphore, #tpu.memory_space<semaphore_mem>>)
    %dma_wait3A = arith.constant 0 : i32
    %dma_wait3A_30 = arith.constant 0 : i32
    %dma_wait3A_31 = arith.constant 0 : i32
    %dma_wait3A_32 = tpu.memref_slice %arg7[%dma_wait3A_30, %dma_wait3A_31] : memref<288x128xf32, #tpu.memory_space<vmem>> -> memref<96x128xf32, #tpu.memory_space<vmem>>
    %dma_wait3A_33 = arith.constant 0 : i32
    %dma_wait3A_34 = tpu.memref_slice %arg6[%dma_wait3A, %dma_wait3A_33] : memref<3x96xi32, #tpu.memory_space<vmem>> -> memref<1x96xi32, #tpu.memory_space<vmem>>
    %dma_wait3A_35 = tpu.memref_squeeze %dma_wait3A_34 : memref<1x96xi32, #tpu.memory_space<vmem>> -> memref<96xi32, #tpu.memory_space<vmem>>
    %dma_wait3A_36 = arith.constant 0 : i32
    %dma_wait3A_37 = arith.constant 0 : i32
    %dma_wait3A_38 = tpu.memref_slice %arg2[%dma_wait3A_36, %dma_wait3A_37] : memref<100000x128xf32, #tpu.memory_space<hbm>> -> memref<100000x128xf32, #tpu.memory_space<hbm>>
    tpu.wait_indirect_dma semaphore(%arg11 : memref<!tpu.dma_semaphore, #tpu.memory_space<semaphore_mem>>) src(%dma_wait3A_38 : memref<100000x128xf32, #tpu.memory_space<hbm>>) dst(%dma_wait3A_32 : memref<96x128xf32, #tpu.memory_space<vmem>>)
    %dma_wait3A_39 = arith.constant 1 : i32
    %dma_wait3A_40 = arith.constant 96 : i32
    %dma_wait3A_41 = arith.constant 0 : i32
    %dma_wait3A_42 = tpu.memref_slice %arg7[%dma_wait3A_40, %dma_wait3A_41] : memref<288x128xf32, #tpu.memory_space<vmem>> -> memref<96x128xf32, #tpu.memory_space<vmem>>
    %dma_wait3A_43 = arith.constant 0 : i32
    %dma_wait3A_44 = tpu.memref_slice %arg6[%dma_wait3A_39, %dma_wait3A_43] : memref<3x96xi32, #tpu.memory_space<vmem>> -> memref<1x96xi32, #tpu.memory_space<vmem>>
    %dma_wait3A_45 = tpu.memref_squeeze %dma_wait3A_44 : memref<1x96xi32, #tpu.memory_space<vmem>> -> memref<96xi32, #tpu.memory_space<vmem>>
    %dma_wait3A_46 = arith.constant 0 : i32
    %dma_wait3A_47 = arith.constant 0 : i32
    %dma_wait3A_48 = tpu.memref_slice %arg2[%dma_wait3A_46, %dma_wait3A_47] : memref<100000x128xf32, #tpu.memory_space<hbm>> -> memref<100000x128xf32, #tpu.memory_space<hbm>>
    tpu.wait_indirect_dma semaphore(%arg11 : memref<!tpu.dma_semaphore, #tpu.memory_space<semaphore_mem>>) src(%dma_wait3A_48 : memref<100000x128xf32, #tpu.memory_space<hbm>>) dst(%dma_wait3A_42 : memref<96x128xf32, #tpu.memory_space<vmem>>)
    %dma_wait3A_49 = arith.constant 2 : i32
    %dma_wait3A_50 = arith.constant 192 : i32
    %dma_wait3A_51 = arith.constant 0 : i32
    %dma_wait3A_52 = tpu.memref_slice %arg7[%dma_wait3A_50, %dma_wait3A_51] : memref<288x128xf32, #tpu.memory_space<vmem>> -> memref<96x128xf32, #tpu.memory_space<vmem>>
    %dma_wait3A_53 = arith.constant 0 : i32
    %dma_wait3A_54 = tpu.memref_slice %arg6[%dma_wait3A_49, %dma_wait3A_53] : memref<3x96xi32, #tpu.memory_space<vmem>> -> memref<1x96xi32, #tpu.memory_space<vmem>>
    %dma_wait3A_55 = tpu.memref_squeeze %dma_wait3A_54 : memref<1x96xi32, #tpu.memory_space<vmem>> -> memref<96xi32, #tpu.memory_space<vmem>>
    %dma_wait3A_56 = arith.constant 0 : i32
    %dma_wait3A_57 = arith.constant 0 : i32
    %dma_wait3A_58 = tpu.memref_slice %arg2[%dma_wait3A_56, %dma_wait3A_57] : memref<100000x128xf32, #tpu.memory_space<hbm>> -> memref<100000x128xf32, #tpu.memory_space<hbm>>
    tpu.wait_indirect_dma semaphore(%arg11 : memref<!tpu.dma_semaphore, #tpu.memory_space<semaphore_mem>>) src(%dma_wait3A_58 : memref<100000x128xf32, #tpu.memory_space<hbm>>) dst(%dma_wait3A_52 : memref<96x128xf32, #tpu.memory_space<vmem>>)
    %scan3A = arith.constant 0 : i32
    %scan3A_59 = arith.constant 0 : i32
    %scan3A_60 = arith.constant 32 : i32
    %scan3A_61 = arith.addi %scan3A_59, %scan3A_60 : i32
    %scan3A_62 = arith.constant 1 : i32
    scf.for %scan3A_66 = %scan3A_59 to %scan3A_61 step %scan3A_62  : i32 {
      %mul3A_67 = arith.constant 160 : i32
      %mul3A_68 = arith.muli %scan3A_66, %mul3A_67 : i32
      %mul3A_69 = arith.constant 9 : i32
      %mul3A_70 = arith.muli %scan3A_66, %mul3A_69 : i32
      %get3A = arith.index_cast %mul3A_68 : i32 to index
      %get3A_71 = tpu.vector_load %arg9[%get3A] {strides = array<i32>} : memref<5120xf32, #tpu.memory_space<vmem>>, vector<16xf32>,
      %get3A_72 = vector.shape_cast %get3A_71 : vector<16xf32> to vector<16xf32>
      %get3A_73 = arith.constant 0 : index
      %get3A_74 = tpu.vector_load %arg8[%get3A_73] {strides = array<i32>} : memref<128xf32, #tpu.memory_space<vmem>>, vector<16xf32>,
      %get3A_75 = vector.shape_cast %get3A_74 : vector<16xf32> to vector<16xf32>
      %mul3A_76 = arith.mulf %get3A_72, %get3A_75 : vector<16xf32>
      %add3A_77 = arith.constant 16 : i32
      %add3A_78 = arith.addi %mul3A_68, %add3A_77 : i32
      %get3A_79 = arith.index_cast %add3A_78 : i32 to index
      %get3A_80 = tpu.vector_load %arg9[%get3A_79] {strides = array<i32>} : memref<5120xf32, #tpu.memory_space<vmem>>, vector<16xf32>,
      %get3A_81 = vector.shape_cast %get3A_80 : vector<16xf32> to vector<16xf32>
      %add3A_82 = arith.constant 0 : i32
      %add3A_83 = arith.addi %mul3A_70, %add3A_82 : i32
      %get3A_84 = arith.index_cast %add3A_83 : i32 to index
      %get3A_85 = arith.constant 0 : index
      %get3A_86 = tpu.vector_load %arg7[%get3A_84, %get3A_85] {strides = array<i32>} : memref<288x128xf32, #tpu.memory_space<vmem>>, vector<1x16xf32>,
      %get3A_87 = vector.shape_cast %get3A_86 : vector<1x16xf32> to vector<16xf32>
      %mul3A_88 = arith.mulf %get3A_81, %get3A_87 : vector<16xf32>
      %add3A_89 = arith.addf %mul3A_76, %mul3A_88 : vector<16xf32>
      %add3A_90 = arith.constant 32 : i32
      %add3A_91 = arith.addi %mul3A_68, %add3A_90 : i32
      %get3A_92 = arith.index_cast %add3A_91 : i32 to index
      %get3A_93 = tpu.vector_load %arg9[%get3A_92] {strides = array<i32>} : memref<5120xf32, #tpu.memory_space<vmem>>, vector<16xf32>,
      %get3A_94 = vector.shape_cast %get3A_93 : vector<16xf32> to vector<16xf32>
      %add3A_95 = arith.constant 1 : i32
      %add3A_96 = arith.addi %mul3A_70, %add3A_95 : i32
      %get3A_97 = arith.index_cast %add3A_96 : i32 to index
      %get3A_98 = arith.constant 0 : index
      %get3A_99 = tpu.vector_load %arg7[%get3A_97, %get3A_98] {strides = array<i32>} : memref<288x128xf32, #tpu.memory_space<vmem>>, vector<1x16xf32>,
      %get3A_100 = vector.shape_cast %get3A_99 : vector<1x16xf32> to vector<16xf32>
      %mul3A_101 = arith.mulf %get3A_94, %get3A_100 : vector<16xf32>
      %add3A_102 = arith.addf %add3A_89, %mul3A_101 : vector<16xf32>
      %add3A_103 = arith.constant 48 : i32
      %add3A_104 = arith.addi %mul3A_68, %add3A_103 : i32
      %get3A_105 = arith.index_cast %add3A_104 : i32 to index
      %get3A_106 = tpu.vector_load %arg9[%get3A_105] {strides = array<i32>} : memref<5120xf32, #tpu.memory_space<vmem>>, vector<16xf32>,
      %get3A_107 = vector.shape_cast %get3A_106 : vector<16xf32> to vector<16xf32>
      %add3A_108 = arith.constant 2 : i32
      %add3A_109 = arith.addi %mul3A_70, %add3A_108 : i32
      %get3A_110 = arith.index_cast %add3A_109 : i32 to index
      %get3A_111 = arith.constant 0 : index
      %get3A_112 = tpu.vector_load %arg7[%get3A_110, %get3A_111] {strides = array<i32>} : memref<288x128xf32, #tpu.memory_space<vmem>>, vector<1x16xf32>,
      %get3A_113 = vector.shape_cast %get3A_112 : vector<1x16xf32> to vector<16xf32>
      %mul3A_114 = arith.mulf %get3A_107, %get3A_113 : vector<16xf32>
      %add3A_115 = arith.addf %add3A_102, %mul3A_114 : vector<16xf32>
      %add3A_116 = arith.constant 64 : i32
      %add3A_117 = arith.addi %mul3A_68, %add3A_116 : i32
      %get3A_118 = arith.index_cast %add3A_117 : i32 to index
      %get3A_119 = tpu.vector_load %arg9[%get3A_118] {strides = array<i32>} : memref<5120xf32, #tpu.memory_space<vmem>>, vector<16xf32>,
      %get3A_120 = vector.shape_cast %get3A_119 : vector<16xf32> to vector<16xf32>
      %add3A_121 = arith.constant 3 : i32
      %add3A_122 = arith.addi %mul3A_70, %add3A_121 : i32
      %get3A_123 = arith.index_cast %add3A_122 : i32 to index
      %get3A_124 = arith.constant 0 : index
      %get3A_125 = tpu.vector_load %arg7[%get3A_123, %get3A_124] {strides = array<i32>} : memref<288x128xf32, #tpu.memory_space<vmem>>, vector<1x16xf32>,
      %get3A_126 = vector.shape_cast %get3A_125 : vector<1x16xf32> to vector<16xf32>
      %mul3A_127 = arith.mulf %get3A_120, %get3A_126 : vector<16xf32>
      %add3A_128 = arith.addf %add3A_115, %mul3A_127 : vector<16xf32>
      %add3A_129 = arith.constant 80 : i32
      %add3A_130 = arith.addi %mul3A_68, %add3A_129 : i32
      %get3A_131 = arith.index_cast %add3A_130 : i32 to index
      %get3A_132 = tpu.vector_load %arg9[%get3A_131] {strides = array<i32>} : memref<5120xf32, #tpu.memory_space<vmem>>, vector<16xf32>,
      %get3A_133 = vector.shape_cast %get3A_132 : vector<16xf32> to vector<16xf32>
      %add3A_134 = arith.constant 4 : i32
      %add3A_135 = arith.addi %mul3A_70, %add3A_134 : i32
      %get3A_136 = arith.index_cast %add3A_135 : i32 to index
      %get3A_137 = arith.constant 0 : index
      %get3A_138 = tpu.vector_load %arg7[%get3A_136, %get3A_137] {strides = array<i32>} : memref<288x128xf32, #tpu.memory_space<vmem>>, vector<1x16xf32>,
      %get3A_139 = vector.shape_cast %get3A_138 : vector<1x16xf32> to vector<16xf32>
      %mul3A_140 = arith.mulf %get3A_133, %get3A_139 : vector<16xf32>
      %add3A_141 = arith.addf %add3A_128, %mul3A_140 : vector<16xf32>
      %add3A_142 = arith.constant 96 : i32
      %add3A_143 = arith.addi %mul3A_68, %add3A_142 : i32
      %get3A_144 = arith.index_cast %add3A_143 : i32 to index
      %get3A_145 = tpu.vector_load %arg9[%get3A_144] {strides = array<i32>} : memref<5120xf32, #tpu.memory_space<vmem>>, vector<16xf32>,
      %get3A_146 = vector.shape_cast %get3A_145 : vector<16xf32> to vector<16xf32>
      %add3A_147 = arith.constant 5 : i32
      %add3A_148 = arith.addi %mul3A_70, %add3A_147 : i32
      %get3A_149 = arith.index_cast %add3A_148 : i32 to index
      %get3A_150 = arith.constant 0 : index
      %get3A_151 = tpu.vector_load %arg7[%get3A_149, %get3A_150] {strides = array<i32>} : memref<288x128xf32, #tpu.memory_space<vmem>>, vector<1x16xf32>,
      %get3A_152 = vector.shape_cast %get3A_151 : vector<1x16xf32> to vector<16xf32>
      %mul3A_153 = arith.mulf %get3A_146, %get3A_152 : vector<16xf32>
      %add3A_154 = arith.addf %add3A_141, %mul3A_153 : vector<16xf32>
      %add3A_155 = arith.constant 112 : i32
      %add3A_156 = arith.addi %mul3A_68, %add3A_155 : i32
      %get3A_157 = arith.index_cast %add3A_156 : i32 to index
      %get3A_158 = tpu.vector_load %arg9[%get3A_157] {strides = array<i32>} : memref<5120xf32, #tpu.memory_space<vmem>>, vector<16xf32>,
      %get3A_159 = vector.shape_cast %get3A_158 : vector<16xf32> to vector<16xf32>
      %add3A_160 = arith.constant 6 : i32
      %add3A_161 = arith.addi %mul3A_70, %add3A_160 : i32
      %get3A_162 = arith.index_cast %add3A_161 : i32 to index
      %get3A_163 = arith.constant 0 : index
      %get3A_164 = tpu.vector_load %arg7[%get3A_162, %get3A_163] {strides = array<i32>} : memref<288x128xf32, #tpu.memory_space<vmem>>, vector<1x16xf32>,
      %get3A_165 = vector.shape_cast %get3A_164 : vector<1x16xf32> to vector<16xf32>
      %mul3A_166 = arith.mulf %get3A_159, %get3A_165 : vector<16xf32>
      %add3A_167 = arith.addf %add3A_154, %mul3A_166 : vector<16xf32>
      %add3A_168 = arith.constant 128 : i32
      %add3A_169 = arith.addi %mul3A_68, %add3A_168 : i32
      %get3A_170 = arith.index_cast %add3A_169 : i32 to index
      %get3A_171 = tpu.vector_load %arg9[%get3A_170] {strides = array<i32>} : memref<5120xf32, #tpu.memory_space<vmem>>, vector<16xf32>,
      %get3A_172 = vector.shape_cast %get3A_171 : vector<16xf32> to vector<16xf32>
      %add3A_173 = arith.constant 7 : i32
      %add3A_174 = arith.addi %mul3A_70, %add3A_173 : i32
      %get3A_175 = arith.index_cast %add3A_174 : i32 to index
      %get3A_176 = arith.constant 0 : index
      %get3A_177 = tpu.vector_load %arg7[%get3A_175, %get3A_176] {strides = array<i32>} : memref<288x128xf32, #tpu.memory_space<vmem>>, vector<1x16xf32>,
      %get3A_178 = vector.shape_cast %get3A_177 : vector<1x16xf32> to vector<16xf32>
      %mul3A_179 = arith.mulf %get3A_172, %get3A_178 : vector<16xf32>
      %add3A_180 = arith.addf %add3A_167, %mul3A_179 : vector<16xf32>
      %add3A_181 = arith.constant 144 : i32
      %add3A_182 = arith.addi %mul3A_68, %add3A_181 : i32
      %get3A_183 = arith.index_cast %add3A_182 : i32 to index
      %get3A_184 = tpu.vector_load %arg9[%get3A_183] {strides = array<i32>} : memref<5120xf32, #tpu.memory_space<vmem>>, vector<16xf32>,
      %get3A_185 = vector.shape_cast %get3A_184 : vector<16xf32> to vector<16xf32>
      %add3A_186 = arith.constant 8 : i32
      %add3A_187 = arith.addi %mul3A_70, %add3A_186 : i32
      %get3A_188 = arith.index_cast %add3A_187 : i32 to index
      %get3A_189 = arith.constant 0 : index
      %get3A_190 = tpu.vector_load %arg7[%get3A_188, %get3A_189] {strides = array<i32>} : memref<288x128xf32, #tpu.memory_space<vmem>>, vector<1x16xf32>,
      %get3A_191 = vector.shape_cast %get3A_190 : vector<1x16xf32> to vector<16xf32>
      %mul3A_192 = arith.mulf %get3A_185, %get3A_191 : vector<16xf32>
      %add3A_193 = arith.addf %add3A_180, %mul3A_192 : vector<16xf32>
      %swap3A = arith.index_cast %scan3A_66 : i32 to index
      %swap3A_194 = arith.constant 0 : index
      %swap3A_195 = tpu.vector_load %arg10[%swap3A, %swap3A_194] {strides = array<i32>} : memref<32x128xf32, #tpu.memory_space<vmem>>, vector<1x16xf32>,
      %swap3A_196 = vector.shape_cast %swap3A_195 : vector<1x16xf32> to vector<16xf32>
      %swap3A_197 = vector.shape_cast %add3A_193 : vector<16xf32> to vector<1x16xf32>
      tpu.vector_store %arg10[%swap3A, %swap3A_194], %swap3A_197 {strides = array<i32>} : memref<32x128xf32, #tpu.memory_space<vmem>>, vector<1x16xf32>,
      %get3A_198 = arith.index_cast %mul3A_68 : i32 to index
      %get3A_199 = tpu.vector_load %arg9[%get3A_198] {strides = array<i32>} : memref<5120xf32, #tpu.memory_space<vmem>>, vector<16xf32>,
      %get3A_200 = vector.shape_cast %get3A_199 : vector<16xf32> to vector<16xf32>
      %get3A_201 = arith.constant 16 : index
      %get3A_202 = tpu.vector_load %arg8[%get3A_201] {strides = array<i32>} : memref<128xf32, #tpu.memory_space<vmem>>, vector<16xf32>,
      %get3A_203 = vector.shape_cast %get3A_202 : vector<16xf32> to vector<16xf32>
      %mul3A_204 = arith.mulf %get3A_200, %get3A_203 : vector<16xf32>
      %add3A_205 = arith.constant 16 : i32
      %add3A_206 = arith.addi %mul3A_68, %add3A_205 : i32
      %get3A_207 = arith.index_cast %add3A_206 : i32 to index
      %get3A_208 = tpu.vector_load %arg9[%get3A_207] {strides = array<i32>} : memref<5120xf32, #tpu.memory_space<vmem>>, vector<16xf32>,
      %get3A_209 = vector.shape_cast %get3A_208 : vector<16xf32> to vector<16xf32>
      %add3A_210 = arith.constant 0 : i32
      %add3A_211 = arith.addi %mul3A_70, %add3A_210 : i32
      %get3A_212 = arith.index_cast %add3A_211 : i32 to index
      %get3A_213 = arith.constant 16 : index
      %get3A_214 = tpu.vector_load %arg7[%get3A_212, %get3A_213] {strides = array<i32>} : memref<288x128xf32, #tpu.memory_space<vmem>>, vector<1x16xf32>,
      %get3A_215 = vector.shape_cast %get3A_214 : vector<1x16xf32> to vector<16xf32>
      %mul3A_216 = arith.mulf %get3A_209, %get3A_215 : vector<16xf32>
      %add3A_217 = arith.addf %mul3A_204, %mul3A_216 : vector<16xf32>
      %add3A_218 = arith.constant 32 : i32
      %add3A_219 = arith.addi %mul3A_68, %add3A_218 : i32
      %get3A_220 = arith.index_cast %add3A_219 : i32 to index
      %get3A_221 = tpu.vector_load %arg9[%get3A_220] {strides = array<i32>} : memref<5120xf32, #tpu.memory_space<vmem>>, vector<16xf32>,
      %get3A_222 = vector.shape_cast %get3A_221 : vector<16xf32> to vector<16xf32>
      %add3A_223 = arith.constant 1 : i32
      %add3A_224 = arith.addi %mul3A_70, %add3A_223 : i32
      %get3A_225 = arith.index_cast %add3A_224 : i32 to index
      %get3A_226 = arith.constant 16 : index
      %get3A_227 = tpu.vector_load %arg7[%get3A_225, %get3A_226] {strides = array<i32>} : memref<288x128xf32, #tpu.memory_space<vmem>>, vector<1x16xf32>,
      %get3A_228 = vector.shape_cast %get3A_227 : vector<1x16xf32> to vector<16xf32>
      %mul3A_229 = arith.mulf %get3A_222, %get3A_228 : vector<16xf32>
      %add3A_230 = arith.addf %add3A_217, %mul3A_229 : vector<16xf32>
      %add3A_231 = arith.constant 48 : i32
      %add3A_232 = arith.addi %mul3A_68, %add3A_231 : i32
      %get3A_233 = arith.index_cast %add3A_232 : i32 to index
      %get3A_234 = tpu.vector_load %arg9[%get3A_233] {strides = array<i32>} : memref<5120xf32, #tpu.memory_space<vmem>>, vector<16xf32>,
      %get3A_235 = vector.shape_cast %get3A_234 : vector<16xf32> to vector<16xf32>
      %add3A_236 = arith.constant 2 : i32
      %add3A_237 = arith.addi %mul3A_70, %add3A_236 : i32
      %get3A_238 = arith.index_cast %add3A_237 : i32 to index
      %get3A_239 = arith.constant 16 : index
      %get3A_240 = tpu.vector_load %arg7[%get3A_238, %get3A_239] {strides = array<i32>} : memref<288x128xf32, #tpu.memory_space<vmem>>, vector<1x16xf32>,
      %get3A_241 = vector.shape_cast %get3A_240 : vector<1x16xf32> to vector<16xf32>
      %mul3A_242 = arith.mulf %get3A_235, %get3A_241 : vector<16xf32>
      %add3A_243 = arith.addf %add3A_230, %mul3A_242 : vector<16xf32>
      %add3A_244 = arith.constant 64 : i32
      %add3A_245 = arith.addi %mul3A_68, %add3A_244 : i32
      %get3A_246 = arith.index_cast %add3A_245 : i32 to index
      %get3A_247 = tpu.vector_load %arg9[%get3A_246] {strides = array<i32>} : memref<5120xf32, #tpu.memory_space<vmem>>, vector<16xf32>,
      %get3A_248 = vector.shape_cast %get3A_247 : vector<16xf32> to vector<16xf32>
      %add3A_249 = arith.constant 3 : i32
      %add3A_250 = arith.addi %mul3A_70, %add3A_249 : i32
      %get3A_251 = arith.index_cast %add3A_250 : i32 to index
      %get3A_252 = arith.constant 16 : index
      %get3A_253 = tpu.vector_load %arg7[%get3A_251, %get3A_252] {strides = array<i32>} : memref<288x128xf32, #tpu.memory_space<vmem>>, vector<1x16xf32>,
      %get3A_254 = vector.shape_cast %get3A_253 : vector<1x16xf32> to vector<16xf32>
      %mul3A_255 = arith.mulf %get3A_248, %get3A_254 : vector<16xf32>
      %add3A_256 = arith.addf %add3A_243, %mul3A_255 : vector<16xf32>
      %add3A_257 = arith.constant 80 : i32
      %add3A_258 = arith.addi %mul3A_68, %add3A_257 : i32
      %get3A_259 = arith.index_cast %add3A_258 : i32 to index
      %get3A_260 = tpu.vector_load %arg9[%get3A_259] {strides = array<i32>} : memref<5120xf32, #tpu.memory_space<vmem>>, vector<16xf32>,
      %get3A_261 = vector.shape_cast %get3A_260 : vector<16xf32> to vector<16xf32>
      %add3A_262 = arith.constant 4 : i32
      %add3A_263 = arith.addi %mul3A_70, %add3A_262 : i32
      %get3A_264 = arith.index_cast %add3A_263 : i32 to index
      %get3A_265 = arith.constant 16 : index
      %get3A_266 = tpu.vector_load %arg7[%get3A_264, %get3A_265] {strides = array<i32>} : memref<288x128xf32, #tpu.memory_space<vmem>>, vector<1x16xf32>,
      %get3A_267 = vector.shape_cast %get3A_266 : vector<1x16xf32> to vector<16xf32>
      %mul3A_268 = arith.mulf %get3A_261, %get3A_267 : vector<16xf32>
      %add3A_269 = arith.addf %add3A_256, %mul3A_268 : vector<16xf32>
      %add3A_270 = arith.constant 96 : i32
      %add3A_271 = arith.addi %mul3A_68, %add3A_270 : i32
      %get3A_272 = arith.index_cast %add3A_271 : i32 to index
      %get3A_273 = tpu.vector_load %arg9[%get3A_272] {strides = array<i32>} : memref<5120xf32, #tpu.memory_space<vmem>>, vector<16xf32>,
      %get3A_274 = vector.shape_cast %get3A_273 : vector<16xf32> to vector<16xf32>
      %add3A_275 = arith.constant 5 : i32
      %add3A_276 = arith.addi %mul3A_70, %add3A_275 : i32
      %get3A_277 = arith.index_cast %add3A_276 : i32 to index
      %get3A_278 = arith.constant 16 : index
      %get3A_279 = tpu.vector_load %arg7[%get3A_277, %get3A_278] {strides = array<i32>} : memref<288x128xf32, #tpu.memory_space<vmem>>, vector<1x16xf32>,
      %get3A_280 = vector.shape_cast %get3A_279 : vector<1x16xf32> to vector<16xf32>
      %mul3A_281 = arith.mulf %get3A_274, %get3A_280 : vector<16xf32>
      %add3A_282 = arith.addf %add3A_269, %mul3A_281 : vector<16xf32>
      %add3A_283 = arith.constant 112 : i32
      %add3A_284 = arith.addi %mul3A_68, %add3A_283 : i32
      %get3A_285 = arith.index_cast %add3A_284 : i32 to index
      %get3A_286 = tpu.vector_load %arg9[%get3A_285] {strides = array<i32>} : memref<5120xf32, #tpu.memory_space<vmem>>, vector<16xf32>,
      %get3A_287 = vector.shape_cast %get3A_286 : vector<16xf32> to vector<16xf32>
      %add3A_288 = arith.constant 6 : i32
      %add3A_289 = arith.addi %mul3A_70, %add3A_288 : i32
      %get3A_290 = arith.index_cast %add3A_289 : i32 to index
      %get3A_291 = arith.constant 16 : index
      %get3A_292 = tpu.vector_load %arg7[%get3A_290, %get3A_291] {strides = array<i32>} : memref<288x128xf32, #tpu.memory_space<vmem>>, vector<1x16xf32>,
      %get3A_293 = vector.shape_cast %get3A_292 : vector<1x16xf32> to vector<16xf32>
      %mul3A_294 = arith.mulf %get3A_287, %get3A_293 : vector<16xf32>
      %add3A_295 = arith.addf %add3A_282, %mul3A_294 : vector<16xf32>
      %add3A_296 = arith.constant 128 : i32
      %add3A_297 = arith.addi %mul3A_68, %add3A_296 : i32
      %get3A_298 = arith.index_cast %add3A_297 : i32 to index
      %get3A_299 = tpu.vector_load %arg9[%get3A_298] {strides = array<i32>} : memref<5120xf32, #tpu.memory_space<vmem>>, vector<16xf32>,
      %get3A_300 = vector.shape_cast %get3A_299 : vector<16xf32> to vector<16xf32>
      %add3A_301 = arith.constant 7 : i32
      %add3A_302 = arith.addi %mul3A_70, %add3A_301 : i32
      %get3A_303 = arith.index_cast %add3A_302 : i32 to index
      %get3A_304 = arith.constant 16 : index
      %get3A_305 = tpu.vector_load %arg7[%get3A_303, %get3A_304] {strides = array<i32>} : memref<288x128xf32, #tpu.memory_space<vmem>>, vector<1x16xf32>,
      %get3A_306 = vector.shape_cast %get3A_305 : vector<1x16xf32> to vector<16xf32>
      %mul3A_307 = arith.mulf %get3A_300, %get3A_306 : vector<16xf32>
      %add3A_308 = arith.addf %add3A_295, %mul3A_307 : vector<16xf32>
      %add3A_309 = arith.constant 144 : i32
      %add3A_310 = arith.addi %mul3A_68, %add3A_309 : i32
      %get3A_311 = arith.index_cast %add3A_310 : i32 to index
      %get3A_312 = tpu.vector_load %arg9[%get3A_311] {strides = array<i32>} : memref<5120xf32, #tpu.memory_space<vmem>>, vector<16xf32>,
      %get3A_313 = vector.shape_cast %get3A_312 : vector<16xf32> to vector<16xf32>
      %add3A_314 = arith.constant 8 : i32
      %add3A_315 = arith.addi %mul3A_70, %add3A_314 : i32
      %get3A_316 = arith.index_cast %add3A_315 : i32 to index
      %get3A_317 = arith.constant 16 : index
      %get3A_318 = tpu.vector_load %arg7[%get3A_316, %get3A_317] {strides = array<i32>} : memref<288x128xf32, #tpu.memory_space<vmem>>, vector<1x16xf32>,
      %get3A_319 = vector.shape_cast %get3A_318 : vector<1x16xf32> to vector<16xf32>
      %mul3A_320 = arith.mulf %get3A_313, %get3A_319 : vector<16xf32>
      %add3A_321 = arith.addf %add3A_308, %mul3A_320 : vector<16xf32>
      %swap3A_322 = arith.index_cast %scan3A_66 : i32 to index
      %swap3A_323 = arith.constant 16 : index
      %swap3A_324 = tpu.vector_load %arg10[%swap3A_322, %swap3A_323] {strides = array<i32>} : memref<32x128xf32, #tpu.memory_space<vmem>>, vector<1x16xf32>,
      %swap3A_325 = vector.shape_cast %swap3A_324 : vector<1x16xf32> to vector<16xf32>
      %swap3A_326 = vector.shape_cast %add3A_321 : vector<16xf32> to vector<1x16xf32>
      tpu.vector_store %arg10[%swap3A_322, %swap3A_323], %swap3A_326 {strides = array<i32>} : memref<32x128xf32, #tpu.memory_space<vmem>>, vector<1x16xf32>,
      %get3A_327 = arith.index_cast %mul3A_68 : i32 to index
      %get3A_328 = tpu.vector_load %arg9[%get3A_327] {strides = array<i32>} : memref<5120xf32, #tpu.memory_space<vmem>>, vector<16xf32>,
      %get3A_329 = vector.shape_cast %get3A_328 : vector<16xf32> to vector<16xf32>
      %get3A_330 = arith.constant 32 : index
      %get3A_331 = tpu.vector_load %arg8[%get3A_330] {strides = array<i32>} : memref<128xf32, #tpu.memory_space<vmem>>, vector<16xf32>,
      %get3A_332 = vector.shape_cast %get3A_331 : vector<16xf32> to vector<16xf32>
      %mul3A_333 = arith.mulf %get3A_329, %get3A_332 : vector<16xf32>
      %add3A_334 = arith.constant 16 : i32
      %add3A_335 = arith.addi %mul3A_68, %add3A_334 : i32
      %get3A_336 = arith.index_cast %add3A_335 : i32 to index
      %get3A_337 = tpu.vector_load %arg9[%get3A_336] {strides = array<i32>} : memref<5120xf32, #tpu.memory_space<vmem>>, vector<16xf32>,
      %get3A_338 = vector.shape_cast %get3A_337 : vector<16xf32> to vector<16xf32>
      %add3A_339 = arith.constant 0 : i32
      %add3A_340 = arith.addi %mul3A_70, %add3A_339 : i32
      %get3A_341 = arith.index_cast %add3A_340 : i32 to index
      %get3A_342 = arith.constant 32 : index
      %get3A_343 = tpu.vector_load %arg7[%get3A_341, %get3A_342] {strides = array<i32>} : memref<288x128xf32, #tpu.memory_space<vmem>>, vector<1x16xf32>,
      %get3A_344 = vector.shape_cast %get3A_343 : vector<1x16xf32> to vector<16xf32>
      %mul3A_345 = arith.mulf %get3A_338, %get3A_344 : vector<16xf32>
      %add3A_346 = arith.addf %mul3A_333, %mul3A_345 : vector<16xf32>
      %add3A_347 = arith.constant 32 : i32
      %add3A_348 = arith.addi %mul3A_68, %add3A_347 : i32
      %get3A_349 = arith.index_cast %add3A_348 : i32 to index
      %get3A_350 = tpu.vector_load %arg9[%get3A_349] {strides = array<i32>} : memref<5120xf32, #tpu.memory_space<vmem>>, vector<16xf32>,
      %get3A_351 = vector.shape_cast %get3A_350 : vector<16xf32> to vector<16xf32>
      %add3A_352 = arith.constant 1 : i32
      %add3A_353 = arith.addi %mul3A_70, %add3A_352 : i32
      %get3A_354 = arith.index_cast %add3A_353 : i32 to index
      %get3A_355 = arith.constant 32 : index
      %get3A_356 = tpu.vector_load %arg7[%get3A_354, %get3A_355] {strides = array<i32>} : memref<288x128xf32, #tpu.memory_space<vmem>>, vector<1x16xf32>,
      %get3A_357 = vector.shape_cast %get3A_356 : vector<1x16xf32> to vector<16xf32>
      %mul3A_358 = arith.mulf %get3A_351, %get3A_357 : vector<16xf32>
      %add3A_359 = arith.addf %add3A_346, %mul3A_358 : vector<16xf32>
      %add3A_360 = arith.constant 48 : i32
      %add3A_361 = arith.addi %mul3A_68, %add3A_360 : i32
      %get3A_362 = arith.index_cast %add3A_361 : i32 to index
      %get3A_363 = tpu.vector_load %arg9[%get3A_362] {strides = array<i32>} : memref<5120xf32, #tpu.memory_space<vmem>>, vector<16xf32>,
      %get3A_364 = vector.shape_cast %get3A_363 : vector<16xf32> to vector<16xf32>
      %add3A_365 = arith.constant 2 : i32
      %add3A_366 = arith.addi %mul3A_70, %add3A_365 : i32
      %get3A_367 = arith.index_cast %add3A_366 : i32 to index
      %get3A_368 = arith.constant 32 : index
      %get3A_369 = tpu.vector_load %arg7[%get3A_367, %get3A_368] {strides = array<i32>} : memref<288x128xf32, #tpu.memory_space<vmem>>, vector<1x16xf32>,
      %get3A_370 = vector.shape_cast %get3A_369 : vector<1x16xf32> to vector<16xf32>
      %mul3A_371 = arith.mulf %get3A_364, %get3A_370 : vector<16xf32>
      %add3A_372 = arith.addf %add3A_359, %mul3A_371 : vector<16xf32>
      %add3A_373 = arith.constant 64 : i32
      %add3A_374 = arith.addi %mul3A_68, %add3A_373 : i32
      %get3A_375 = arith.index_cast %add3A_374 : i32 to index
      %get3A_376 = tpu.vector_load %arg9[%get3A_375] {strides = array<i32>} : memref<5120xf32, #tpu.memory_space<vmem>>, vector<16xf32>,
      %get3A_377 = vector.shape_cast %get3A_376 : vector<16xf32> to vector<16xf32>
      %add3A_378 = arith.constant 3 : i32
      %add3A_379 = arith.addi %mul3A_70, %add3A_378 : i32
      %get3A_380 = arith.index_cast %add3A_379 : i32 to index
      %get3A_381 = arith.constant 32 : index
      %get3A_382 = tpu.vector_load %arg7[%get3A_380, %get3A_381] {strides = array<i32>} : memref<288x128xf32, #tpu.memory_space<vmem>>, vector<1x16xf32>,
      %get3A_383 = vector.shape_cast %get3A_382 : vector<1x16xf32> to vector<16xf32>
      %mul3A_384 = arith.mulf %get3A_377, %get3A_383 : vector<16xf32>
      %add3A_385 = arith.addf %add3A_372, %mul3A_384 : vector<16xf32>
      %add3A_386 = arith.constant 80 : i32
      %add3A_387 = arith.addi %mul3A_68, %add3A_386 : i32
      %get3A_388 = arith.index_cast %add3A_387 : i32 to index
      %get3A_389 = tpu.vector_load %arg9[%get3A_388] {strides = array<i32>} : memref<5120xf32, #tpu.memory_space<vmem>>, vector<16xf32>,
      %get3A_390 = vector.shape_cast %get3A_389 : vector<16xf32> to vector<16xf32>
      %add3A_391 = arith.constant 4 : i32
      %add3A_392 = arith.addi %mul3A_70, %add3A_391 : i32
      %get3A_393 = arith.index_cast %add3A_392 : i32 to index
      %get3A_394 = arith.constant 32 : index
      %get3A_395 = tpu.vector_load %arg7[%get3A_393, %get3A_394] {strides = array<i32>} : memref<288x128xf32, #tpu.memory_space<vmem>>, vector<1x16xf32>,
      %get3A_396 = vector.shape_cast %get3A_395 : vector<1x16xf32> to vector<16xf32>
      %mul3A_397 = arith.mulf %get3A_390, %get3A_396 : vector<16xf32>
      %add3A_398 = arith.addf %add3A_385, %mul3A_397 : vector<16xf32>
      %add3A_399 = arith.constant 96 : i32
      %add3A_400 = arith.addi %mul3A_68, %add3A_399 : i32
      %get3A_401 = arith.index_cast %add3A_400 : i32 to index
      %get3A_402 = tpu.vector_load %arg9[%get3A_401] {strides = array<i32>} : memref<5120xf32, #tpu.memory_space<vmem>>, vector<16xf32>,
      %get3A_403 = vector.shape_cast %get3A_402 : vector<16xf32> to vector<16xf32>
      %add3A_404 = arith.constant 5 : i32
      %add3A_405 = arith.addi %mul3A_70, %add3A_404 : i32
      %get3A_406 = arith.index_cast %add3A_405 : i32 to index
      %get3A_407 = arith.constant 32 : index
      %get3A_408 = tpu.vector_load %arg7[%get3A_406, %get3A_407] {strides = array<i32>} : memref<288x128xf32, #tpu.memory_space<vmem>>, vector<1x16xf32>,
      %get3A_409 = vector.shape_cast %get3A_408 : vector<1x16xf32> to vector<16xf32>
      %mul3A_410 = arith.mulf %get3A_403, %get3A_409 : vector<16xf32>
      %add3A_411 = arith.addf %add3A_398, %mul3A_410 : vector<16xf32>
      %add3A_412 = arith.constant 112 : i32
      %add3A_413 = arith.addi %mul3A_68, %add3A_412 : i32
      %get3A_414 = arith.index_cast %add3A_413 : i32 to index
      %get3A_415 = tpu.vector_load %arg9[%get3A_414] {strides = array<i32>} : memref<5120xf32, #tpu.memory_space<vmem>>, vector<16xf32>,
      %get3A_416 = vector.shape_cast %get3A_415 : vector<16xf32> to vector<16xf32>
      %add3A_417 = arith.constant 6 : i32
      %add3A_418 = arith.addi %mul3A_70, %add3A_417 : i32
      %get3A_419 = arith.index_cast %add3A_418 : i32 to index
      %get3A_420 = arith.constant 32 : index
      %get3A_421 = tpu.vector_load %arg7[%get3A_419, %get3A_420] {strides = array<i32>} : memref<288x128xf32, #tpu.memory_space<vmem>>, vector<1x16xf32>,
      %get3A_422 = vector.shape_cast %get3A_421 : vector<1x16xf32> to vector<16xf32>
      %mul3A_423 = arith.mulf %get3A_416, %get3A_422 : vector<16xf32>
      %add3A_424 = arith.addf %add3A_411, %mul3A_423 : vector<16xf32>
      %add3A_425 = arith.constant 128 : i32
      %add3A_426 = arith.addi %mul3A_68, %add3A_425 : i32
      %get3A_427 = arith.index_cast %add3A_426 : i32 to index
      %get3A_428 = tpu.vector_load %arg9[%get3A_427] {strides = array<i32>} : memref<5120xf32, #tpu.memory_space<vmem>>, vector<16xf32>,
      %get3A_429 = vector.shape_cast %get3A_428 : vector<16xf32> to vector<16xf32>
      %add3A_430 = arith.constant 7 : i32
      %add3A_431 = arith.addi %mul3A_70, %add3A_430 : i32
      %get3A_432 = arith.index_cast %add3A_431 : i32 to index
      %get3A_433 = arith.constant 32 : index
      %get3A_434 = tpu.vector_load %arg7[%get3A_432, %get3A_433] {strides = array<i32>} : memref<288x128xf32, #tpu.memory_space<vmem>>, vector<1x16xf32>,
      %get3A_435 = vector.shape_cast %get3A_434 : vector<1x16xf32> to vector<16xf32>
      %mul3A_436 = arith.mulf %get3A_429, %get3A_435 : vector<16xf32>
      %add3A_437 = arith.addf %add3A_424, %mul3A_436 : vector<16xf32>
      %add3A_438 = arith.constant 144 : i32
      %add3A_439 = arith.addi %mul3A_68, %add3A_438 : i32
      %get3A_440 = arith.index_cast %add3A_439 : i32 to index
      %get3A_441 = tpu.vector_load %arg9[%get3A_440] {strides = array<i32>} : memref<5120xf32, #tpu.memory_space<vmem>>, vector<16xf32>,
      %get3A_442 = vector.shape_cast %get3A_441 : vector<16xf32> to vector<16xf32>
      %add3A_443 = arith.constant 8 : i32
      %add3A_444 = arith.addi %mul3A_70, %add3A_443 : i32
      %get3A_445 = arith.index_cast %add3A_444 : i32 to index
      %get3A_446 = arith.constant 32 : index
      %get3A_447 = tpu.vector_load %arg7[%get3A_445, %get3A_446] {strides = array<i32>} : memref<288x128xf32, #tpu.memory_space<vmem>>, vector<1x16xf32>,
      %get3A_448 = vector.shape_cast %get3A_447 : vector<1x16xf32> to vector<16xf32>
      %mul3A_449 = arith.mulf %get3A_442, %get3A_448 : vector<16xf32>
      %add3A_450 = arith.addf %add3A_437, %mul3A_449 : vector<16xf32>
      %swap3A_451 = arith.index_cast %scan3A_66 : i32 to index
      %swap3A_452 = arith.constant 32 : index
      %swap3A_453 = tpu.vector_load %arg10[%swap3A_451, %swap3A_452] {strides = array<i32>} : memref<32x128xf32, #tpu.memory_space<vmem>>, vector<1x16xf32>,
      %swap3A_454 = vector.shape_cast %swap3A_453 : vector<1x16xf32> to vector<16xf32>
      %swap3A_455 = vector.shape_cast %add3A_450 : vector<16xf32> to vector<1x16xf32>
      tpu.vector_store %arg10[%swap3A_451, %swap3A_452], %swap3A_455 {strides = array<i32>} : memref<32x128xf32, #tpu.memory_space<vmem>>, vector<1x16xf32>,
      %get3A_456 = arith.index_cast %mul3A_68 : i32 to index
      %get3A_457 = tpu.vector_load %arg9[%get3A_456] {strides = array<i32>} : memref<5120xf32, #tpu.memory_space<vmem>>, vector<16xf32>,
      %get3A_458 = vector.shape_cast %get3A_457 : vector<16xf32> to vector<16xf32>
      %get3A_459 = arith.constant 48 : index
      %get3A_460 = tpu.vector_load %arg8[%get3A_459] {strides = array<i32>} : memref<128xf32, #tpu.memory_space<vmem>>, vector<16xf32>,
      %get3A_461 = vector.shape_cast %get3A_460 : vector<16xf32> to vector<16xf32>
      %mul3A_462 = arith.mulf %get3A_458, %get3A_461 : vector<16xf32>
      %add3A_463 = arith.constant 16 : i32
      %add3A_464 = arith.addi %mul3A_68, %add3A_463 : i32
      %get3A_465 = arith.index_cast %add3A_464 : i32 to index
      %get3A_466 = tpu.vector_load %arg9[%get3A_465] {strides = array<i32>} : memref<5120xf32, #tpu.memory_space<vmem>>, vector<16xf32>,
      %get3A_467 = vector.shape_cast %get3A_466 : vector<16xf32> to vector<16xf32>
      %add3A_468 = arith.constant 0 : i32
      %add3A_469 = arith.addi %mul3A_70, %add3A_468 : i32
      %get3A_470 = arith.index_cast %add3A_469 : i32 to index
      %get3A_471 = arith.constant 48 : index
      %get3A_472 = tpu.vector_load %arg7[%get3A_470, %get3A_471] {strides = array<i32>} : memref<288x128xf32, #tpu.memory_space<vmem>>, vector<1x16xf32>,
      %get3A_473 = vector.shape_cast %get3A_472 : vector<1x16xf32> to vector<16xf32>
      %mul3A_474 = arith.mulf %get3A_467, %get3A_473 : vector<16xf32>
      %add3A_475 = arith.addf %mul3A_462, %mul3A_474 : vector<16xf32>
      %add3A_476 = arith.constant 32 : i32
      %add3A_477 = arith.addi %mul3A_68, %add3A_476 : i32
      %get3A_478 = arith.index_cast %add3A_477 : i32 to index
      %get3A_479 = tpu.vector_load %arg9[%get3A_478] {strides = array<i32>} : memref<5120xf32, #tpu.memory_space<vmem>>, vector<16xf32>,
      %get3A_480 = vector.shape_cast %get3A_479 : vector<16xf32> to vector<16xf32>
      %add3A_481 = arith.constant 1 : i32
      %add3A_482 = arith.addi %mul3A_70, %add3A_481 : i32
      %get3A_483 = arith.index_cast %add3A_482 : i32 to index
      %get3A_484 = arith.constant 48 : index
      %get3A_485 = tpu.vector_load %arg7[%get3A_483, %get3A_484] {strides = array<i32>} : memref<288x128xf32, #tpu.memory_space<vmem>>, vector<1x16xf32>,
      %get3A_486 = vector.shape_cast %get3A_485 : vector<1x16xf32> to vector<16xf32>
      %mul3A_487 = arith.mulf %get3A_480, %get3A_486 : vector<16xf32>
      %add3A_488 = arith.addf %add3A_475, %mul3A_487 : vector<16xf32>
      %add3A_489 = arith.constant 48 : i32
      %add3A_490 = arith.addi %mul3A_68, %add3A_489 : i32
      %get3A_491 = arith.index_cast %add3A_490 : i32 to index
      %get3A_492 = tpu.vector_load %arg9[%get3A_491] {strides = array<i32>} : memref<5120xf32, #tpu.memory_space<vmem>>, vector<16xf32>,
      %get3A_493 = vector.shape_cast %get3A_492 : vector<16xf32> to vector<16xf32>
      %add3A_494 = arith.constant 2 : i32
      %add3A_495 = arith.addi %mul3A_70, %add3A_494 : i32
      %get3A_496 = arith.index_cast %add3A_495 : i32 to index
      %get3A_497 = arith.constant 48 : index
      %get3A_498 = tpu.vector_load %arg7[%get3A_496, %get3A_497] {strides = array<i32>} : memref<288x128xf32, #tpu.memory_space<vmem>>, vector<1x16xf32>,
      %get3A_499 = vector.shape_cast %get3A_498 : vector<1x16xf32> to vector<16xf32>
      %mul3A_500 = arith.mulf %get3A_493, %get3A_499 : vector<16xf32>
      %add3A_501 = arith.addf %add3A_488, %mul3A_500 : vector<16xf32>
      %add3A_502 = arith.constant 64 : i32
      %add3A_503 = arith.addi %mul3A_68, %add3A_502 : i32
      %get3A_504 = arith.index_cast %add3A_503 : i32 to index
      %get3A_505 = tpu.vector_load %arg9[%get3A_504] {strides = array<i32>} : memref<5120xf32, #tpu.memory_space<vmem>>, vector<16xf32>,
      %get3A_506 = vector.shape_cast %get3A_505 : vector<16xf32> to vector<16xf32>
      %add3A_507 = arith.constant 3 : i32
      %add3A_508 = arith.addi %mul3A_70, %add3A_507 : i32
      %get3A_509 = arith.index_cast %add3A_508 : i32 to index
      %get3A_510 = arith.constant 48 : index
      %get3A_511 = tpu.vector_load %arg7[%get3A_509, %get3A_510] {strides = array<i32>} : memref<288x128xf32, #tpu.memory_space<vmem>>, vector<1x16xf32>,
      %get3A_512 = vector.shape_cast %get3A_511 : vector<1x16xf32> to vector<16xf32>
      %mul3A_513 = arith.mulf %get3A_506, %get3A_512 : vector<16xf32>
      %add3A_514 = arith.addf %add3A_501, %mul3A_513 : vector<16xf32>
      %add3A_515 = arith.constant 80 : i32
      %add3A_516 = arith.addi %mul3A_68, %add3A_515 : i32
      %get3A_517 = arith.index_cast %add3A_516 : i32 to index
      %get3A_518 = tpu.vector_load %arg9[%get3A_517] {strides = array<i32>} : memref<5120xf32, #tpu.memory_space<vmem>>, vector<16xf32>,
      %get3A_519 = vector.shape_cast %get3A_518 : vector<16xf32> to vector<16xf32>
      %add3A_520 = arith.constant 4 : i32
      %add3A_521 = arith.addi %mul3A_70, %add3A_520 : i32
      %get3A_522 = arith.index_cast %add3A_521 : i32 to index
      %get3A_523 = arith.constant 48 : index
      %get3A_524 = tpu.vector_load %arg7[%get3A_522, %get3A_523] {strides = array<i32>} : memref<288x128xf32, #tpu.memory_space<vmem>>, vector<1x16xf32>,
      %get3A_525 = vector.shape_cast %get3A_524 : vector<1x16xf32> to vector<16xf32>
      %mul3A_526 = arith.mulf %get3A_519, %get3A_525 : vector<16xf32>
      %add3A_527 = arith.addf %add3A_514, %mul3A_526 : vector<16xf32>
      %add3A_528 = arith.constant 96 : i32
      %add3A_529 = arith.addi %mul3A_68, %add3A_528 : i32
      %get3A_530 = arith.index_cast %add3A_529 : i32 to index
      %get3A_531 = tpu.vector_load %arg9[%get3A_530] {strides = array<i32>} : memref<5120xf32, #tpu.memory_space<vmem>>, vector<16xf32>,
      %get3A_532 = vector.shape_cast %get3A_531 : vector<16xf32> to vector<16xf32>
      %add3A_533 = arith.constant 5 : i32
      %add3A_534 = arith.addi %mul3A_70, %add3A_533 : i32
      %get3A_535 = arith.index_cast %add3A_534 : i32 to index
      %get3A_536 = arith.constant 48 : index
      %get3A_537 = tpu.vector_load %arg7[%get3A_535, %get3A_536] {strides = array<i32>} : memref<288x128xf32, #tpu.memory_space<vmem>>, vector<1x16xf32>,
      %get3A_538 = vector.shape_cast %get3A_537 : vector<1x16xf32> to vector<16xf32>
      %mul3A_539 = arith.mulf %get3A_532, %get3A_538 : vector<16xf32>
      %add3A_540 = arith.addf %add3A_527, %mul3A_539 : vector<16xf32>
      %add3A_541 = arith.constant 112 : i32
      %add3A_542 = arith.addi %mul3A_68, %add3A_541 : i32
      %get3A_543 = arith.index_cast %add3A_542 : i32 to index
      %get3A_544 = tpu.vector_load %arg9[%get3A_543] {strides = array<i32>} : memref<5120xf32, #tpu.memory_space<vmem>>, vector<16xf32>,
      %get3A_545 = vector.shape_cast %get3A_544 : vector<16xf32> to vector<16xf32>
      %add3A_546 = arith.constant 6 : i32
      %add3A_547 = arith.addi %mul3A_70, %add3A_546 : i32
      %get3A_548 = arith.index_cast %add3A_547 : i32 to index
      %get3A_549 = arith.constant 48 : index
      %get3A_550 = tpu.vector_load %arg7[%get3A_548, %get3A_549] {strides = array<i32>} : memref<288x128xf32, #tpu.memory_space<vmem>>, vector<1x16xf32>,
      %get3A_551 = vector.shape_cast %get3A_550 : vector<1x16xf32> to vector<16xf32>
      %mul3A_552 = arith.mulf %get3A_545, %get3A_551 : vector<16xf32>
      %add3A_553 = arith.addf %add3A_540, %mul3A_552 : vector<16xf32>
      %add3A_554 = arith.constant 128 : i32
      %add3A_555 = arith.addi %mul3A_68, %add3A_554 : i32
      %get3A_556 = arith.index_cast %add3A_555 : i32 to index
      %get3A_557 = tpu.vector_load %arg9[%get3A_556] {strides = array<i32>} : memref<5120xf32, #tpu.memory_space<vmem>>, vector<16xf32>,
      %get3A_558 = vector.shape_cast %get3A_557 : vector<16xf32> to vector<16xf32>
      %add3A_559 = arith.constant 7 : i32
      %add3A_560 = arith.addi %mul3A_70, %add3A_559 : i32
      %get3A_561 = arith.index_cast %add3A_560 : i32 to index
      %get3A_562 = arith.constant 48 : index
      %get3A_563 = tpu.vector_load %arg7[%get3A_561, %get3A_562] {strides = array<i32>} : memref<288x128xf32, #tpu.memory_space<vmem>>, vector<1x16xf32>,
      %get3A_564 = vector.shape_cast %get3A_563 : vector<1x16xf32> to vector<16xf32>
      %mul3A_565 = arith.mulf %get3A_558, %get3A_564 : vector<16xf32>
      %add3A_566 = arith.addf %add3A_553, %mul3A_565 : vector<16xf32>
      %add3A_567 = arith.constant 144 : i32
      %add3A_568 = arith.addi %mul3A_68, %add3A_567 : i32
      %get3A_569 = arith.index_cast %add3A_568 : i32 to index
      %get3A_570 = tpu.vector_load %arg9[%get3A_569] {strides = array<i32>} : memref<5120xf32, #tpu.memory_space<vmem>>, vector<16xf32>,
      %get3A_571 = vector.shape_cast %get3A_570 : vector<16xf32> to vector<16xf32>
      %add3A_572 = arith.constant 8 : i32
      %add3A_573 = arith.addi %mul3A_70, %add3A_572 : i32
      %get3A_574 = arith.index_cast %add3A_573 : i32 to index
      %get3A_575 = arith.constant 48 : index
      %get3A_576 = tpu.vector_load %arg7[%get3A_574, %get3A_575] {strides = array<i32>} : memref<288x128xf32, #tpu.memory_space<vmem>>, vector<1x16xf32>,
      %get3A_577 = vector.shape_cast %get3A_576 : vector<1x16xf32> to vector<16xf32>
      %mul3A_578 = arith.mulf %get3A_571, %get3A_577 : vector<16xf32>
      %add3A_579 = arith.addf %add3A_566, %mul3A_578 : vector<16xf32>
      %swap3A_580 = arith.index_cast %scan3A_66 : i32 to index
      %swap3A_581 = arith.constant 48 : index
      %swap3A_582 = tpu.vector_load %arg10[%swap3A_580, %swap3A_581] {strides = array<i32>} : memref<32x128xf32, #tpu.memory_space<vmem>>, vector<1x16xf32>,
      %swap3A_583 = vector.shape_cast %swap3A_582 : vector<1x16xf32> to vector<16xf32>
      %swap3A_584 = vector.shape_cast %add3A_579 : vector<16xf32> to vector<1x16xf32>
      tpu.vector_store %arg10[%swap3A_580, %swap3A_581], %swap3A_584 {strides = array<i32>} : memref<32x128xf32, #tpu.memory_space<vmem>>, vector<1x16xf32>,
      %get3A_585 = arith.index_cast %mul3A_68 : i32 to index
      %get3A_586 = tpu.vector_load %arg9[%get3A_585] {strides = array<i32>} : memref<5120xf32, #tpu.memory_space<vmem>>, vector<16xf32>,
      %get3A_587 = vector.shape_cast %get3A_586 : vector<16xf32> to vector<16xf32>
      %get3A_588 = arith.constant 64 : index
      %get3A_589 = tpu.vector_load %arg8[%get3A_588] {strides = array<i32>} : memref<128xf32, #tpu.memory_space<vmem>>, vector<16xf32>,
      %get3A_590 = vector.shape_cast %get3A_589 : vector<16xf32> to vector<16xf32>
      %mul3A_591 = arith.mulf %get3A_587, %get3A_590 : vector<16xf32>
      %add3A_592 = arith.constant 16 : i32
      %add3A_593 = arith.addi %mul3A_68, %add3A_592 : i32
      %get3A_594 = arith.index_cast %add3A_593 : i32 to index
      %get3A_595 = tpu.vector_load %arg9[%get3A_594] {strides = array<i32>} : memref<5120xf32, #tpu.memory_space<vmem>>, vector<16xf32>,
      %get3A_596 = vector.shape_cast %get3A_595 : vector<16xf32> to vector<16xf32>
      %add3A_597 = arith.constant 0 : i32
      %add3A_598 = arith.addi %mul3A_70, %add3A_597 : i32
      %get3A_599 = arith.index_cast %add3A_598 : i32 to index
      %get3A_600 = arith.constant 64 : index
      %get3A_601 = tpu.vector_load %arg7[%get3A_599, %get3A_600] {strides = array<i32>} : memref<288x128xf32, #tpu.memory_space<vmem>>, vector<1x16xf32>,
      %get3A_602 = vector.shape_cast %get3A_601 : vector<1x16xf32> to vector<16xf32>
      %mul3A_603 = arith.mulf %get3A_596, %get3A_602 : vector<16xf32>
      %add3A_604 = arith.addf %mul3A_591, %mul3A_603 : vector<16xf32>
      %add3A_605 = arith.constant 32 : i32
      %add3A_606 = arith.addi %mul3A_68, %add3A_605 : i32
      %get3A_607 = arith.index_cast %add3A_606 : i32 to index
      %get3A_608 = tpu.vector_load %arg9[%get3A_607] {strides = array<i32>} : memref<5120xf32, #tpu.memory_space<vmem>>, vector<16xf32>,
      %get3A_609 = vector.shape_cast %get3A_608 : vector<16xf32> to vector<16xf32>
      %add3A_610 = arith.constant 1 : i32
      %add3A_611 = arith.addi %mul3A_70, %add3A_610 : i32
      %get3A_612 = arith.index_cast %add3A_611 : i32 to index
      %get3A_613 = arith.constant 64 : index
      %get3A_614 = tpu.vector_load %arg7[%get3A_612, %get3A_613] {strides = array<i32>} : memref<288x128xf32, #tpu.memory_space<vmem>>, vector<1x16xf32>,
      %get3A_615 = vector.shape_cast %get3A_614 : vector<1x16xf32> to vector<16xf32>
      %mul3A_616 = arith.mulf %get3A_609, %get3A_615 : vector<16xf32>
      %add3A_617 = arith.addf %add3A_604, %mul3A_616 : vector<16xf32>
      %add3A_618 = arith.constant 48 : i32
      %add3A_619 = arith.addi %mul3A_68, %add3A_618 : i32
      %get3A_620 = arith.index_cast %add3A_619 : i32 to index
      %get3A_621 = tpu.vector_load %arg9[%get3A_620] {strides = array<i32>} : memref<5120xf32, #tpu.memory_space<vmem>>, vector<16xf32>,
      %get3A_622 = vector.shape_cast %get3A_621 : vector<16xf32> to vector<16xf32>
      %add3A_623 = arith.constant 2 : i32
      %add3A_624 = arith.addi %mul3A_70, %add3A_623 : i32
      %get3A_625 = arith.index_cast %add3A_624 : i32 to index
      %get3A_626 = arith.constant 64 : index
      %get3A_627 = tpu.vector_load %arg7[%get3A_625, %get3A_626] {strides = array<i32>} : memref<288x128xf32, #tpu.memory_space<vmem>>, vector<1x16xf32>,
      %get3A_628 = vector.shape_cast %get3A_627 : vector<1x16xf32> to vector<16xf32>
      %mul3A_629 = arith.mulf %get3A_622, %get3A_628 : vector<16xf32>
      %add3A_630 = arith.addf %add3A_617, %mul3A_629 : vector<16xf32>
      %add3A_631 = arith.constant 64 : i32
      %add3A_632 = arith.addi %mul3A_68, %add3A_631 : i32
      %get3A_633 = arith.index_cast %add3A_632 : i32 to index
      %get3A_634 = tpu.vector_load %arg9[%get3A_633] {strides = array<i32>} : memref<5120xf32, #tpu.memory_space<vmem>>, vector<16xf32>,
      %get3A_635 = vector.shape_cast %get3A_634 : vector<16xf32> to vector<16xf32>
      %add3A_636 = arith.constant 3 : i32
      %add3A_637 = arith.addi %mul3A_70, %add3A_636 : i32
      %get3A_638 = arith.index_cast %add3A_637 : i32 to index
      %get3A_639 = arith.constant 64 : index
      %get3A_640 = tpu.vector_load %arg7[%get3A_638, %get3A_639] {strides = array<i32>} : memref<288x128xf32, #tpu.memory_space<vmem>>, vector<1x16xf32>,
      %get3A_641 = vector.shape_cast %get3A_640 : vector<1x16xf32> to vector<16xf32>
      %mul3A_642 = arith.mulf %get3A_635, %get3A_641 : vector<16xf32>
      %add3A_643 = arith.addf %add3A_630, %mul3A_642 : vector<16xf32>
      %add3A_644 = arith.constant 80 : i32
      %add3A_645 = arith.addi %mul3A_68, %add3A_644 : i32
      %get3A_646 = arith.index_cast %add3A_645 : i32 to index
      %get3A_647 = tpu.vector_load %arg9[%get3A_646] {strides = array<i32>} : memref<5120xf32, #tpu.memory_space<vmem>>, vector<16xf32>,
      %get3A_648 = vector.shape_cast %get3A_647 : vector<16xf32> to vector<16xf32>
      %add3A_649 = arith.constant 4 : i32
      %add3A_650 = arith.addi %mul3A_70, %add3A_649 : i32
      %get3A_651 = arith.index_cast %add3A_650 : i32 to index
      %get3A_652 = arith.constant 64 : index
      %get3A_653 = tpu.vector_load %arg7[%get3A_651, %get3A_652] {strides = array<i32>} : memref<288x128xf32, #tpu.memory_space<vmem>>, vector<1x16xf32>,
      %get3A_654 = vector.shape_cast %get3A_653 : vector<1x16xf32> to vector<16xf32>
      %mul3A_655 = arith.mulf %get3A_648, %get3A_654 : vector<16xf32>
      %add3A_656 = arith.addf %add3A_643, %mul3A_655 : vector<16xf32>
      %add3A_657 = arith.constant 96 : i32
      %add3A_658 = arith.addi %mul3A_68, %add3A_657 : i32
      %get3A_659 = arith.index_cast %add3A_658 : i32 to index
      %get3A_660 = tpu.vector_load %arg9[%get3A_659] {strides = array<i32>} : memref<5120xf32, #tpu.memory_space<vmem>>, vector<16xf32>,
      %get3A_661 = vector.shape_cast %get3A_660 : vector<16xf32> to vector<16xf32>
      %add3A_662 = arith.constant 5 : i32
      %add3A_663 = arith.addi %mul3A_70, %add3A_662 : i32
      %get3A_664 = arith.index_cast %add3A_663 : i32 to index
      %get3A_665 = arith.constant 64 : index
      %get3A_666 = tpu.vector_load %arg7[%get3A_664, %get3A_665] {strides = array<i32>} : memref<288x128xf32, #tpu.memory_space<vmem>>, vector<1x16xf32>,
      %get3A_667 = vector.shape_cast %get3A_666 : vector<1x16xf32> to vector<16xf32>
      %mul3A_668 = arith.mulf %get3A_661, %get3A_667 : vector<16xf32>
      %add3A_669 = arith.addf %add3A_656, %mul3A_668 : vector<16xf32>
      %add3A_670 = arith.constant 112 : i32
      %add3A_671 = arith.addi %mul3A_68, %add3A_670 : i32
      %get3A_672 = arith.index_cast %add3A_671 : i32 to index
      %get3A_673 = tpu.vector_load %arg9[%get3A_672] {strides = array<i32>} : memref<5120xf32, #tpu.memory_space<vmem>>, vector<16xf32>,
      %get3A_674 = vector.shape_cast %get3A_673 : vector<16xf32> to vector<16xf32>
      %add3A_675 = arith.constant 6 : i32
      %add3A_676 = arith.addi %mul3A_70, %add3A_675 : i32
      %get3A_677 = arith.index_cast %add3A_676 : i32 to index
      %get3A_678 = arith.constant 64 : index
      %get3A_679 = tpu.vector_load %arg7[%get3A_677, %get3A_678] {strides = array<i32>} : memref<288x128xf32, #tpu.memory_space<vmem>>, vector<1x16xf32>,
      %get3A_680 = vector.shape_cast %get3A_679 : vector<1x16xf32> to vector<16xf32>
      %mul3A_681 = arith.mulf %get3A_674, %get3A_680 : vector<16xf32>
      %add3A_682 = arith.addf %add3A_669, %mul3A_681 : vector<16xf32>
      %add3A_683 = arith.constant 128 : i32
      %add3A_684 = arith.addi %mul3A_68, %add3A_683 : i32
      %get3A_685 = arith.index_cast %add3A_684 : i32 to index
      %get3A_686 = tpu.vector_load %arg9[%get3A_685] {strides = array<i32>} : memref<5120xf32, #tpu.memory_space<vmem>>, vector<16xf32>,
      %get3A_687 = vector.shape_cast %get3A_686 : vector<16xf32> to vector<16xf32>
      %add3A_688 = arith.constant 7 : i32
      %add3A_689 = arith.addi %mul3A_70, %add3A_688 : i32
      %get3A_690 = arith.index_cast %add3A_689 : i32 to index
      %get3A_691 = arith.constant 64 : index
      %get3A_692 = tpu.vector_load %arg7[%get3A_690, %get3A_691] {strides = array<i32>} : memref<288x128xf32, #tpu.memory_space<vmem>>, vector<1x16xf32>,
      %get3A_693 = vector.shape_cast %get3A_692 : vector<1x16xf32> to vector<16xf32>
      %mul3A_694 = arith.mulf %get3A_687, %get3A_693 : vector<16xf32>
      %add3A_695 = arith.addf %add3A_682, %mul3A_694 : vector<16xf32>
      %add3A_696 = arith.constant 144 : i32
      %add3A_697 = arith.addi %mul3A_68, %add3A_696 : i32
      %get3A_698 = arith.index_cast %add3A_697 : i32 to index
      %get3A_699 = tpu.vector_load %arg9[%get3A_698] {strides = array<i32>} : memref<5120xf32, #tpu.memory_space<vmem>>, vector<16xf32>,
      %get3A_700 = vector.shape_cast %get3A_699 : vector<16xf32> to vector<16xf32>
      %add3A_701 = arith.constant 8 : i32
      %add3A_702 = arith.addi %mul3A_70, %add3A_701 : i32
      %get3A_703 = arith.index_cast %add3A_702 : i32 to index
      %get3A_704 = arith.constant 64 : index
      %get3A_705 = tpu.vector_load %arg7[%get3A_703, %get3A_704] {strides = array<i32>} : memref<288x128xf32, #tpu.memory_space<vmem>>, vector<1x16xf32>,
      %get3A_706 = vector.shape_cast %get3A_705 : vector<1x16xf32> to vector<16xf32>
      %mul3A_707 = arith.mulf %get3A_700, %get3A_706 : vector<16xf32>
      %add3A_708 = arith.addf %add3A_695, %mul3A_707 : vector<16xf32>
      %swap3A_709 = arith.index_cast %scan3A_66 : i32 to index
      %swap3A_710 = arith.constant 64 : index
      %swap3A_711 = tpu.vector_load %arg10[%swap3A_709, %swap3A_710] {strides = array<i32>} : memref<32x128xf32, #tpu.memory_space<vmem>>, vector<1x16xf32>,
      %swap3A_712 = vector.shape_cast %swap3A_711 : vector<1x16xf32> to vector<16xf32>
      %swap3A_713 = vector.shape_cast %add3A_708 : vector<16xf32> to vector<1x16xf32>
      tpu.vector_store %arg10[%swap3A_709, %swap3A_710], %swap3A_713 {strides = array<i32>} : memref<32x128xf32, #tpu.memory_space<vmem>>, vector<1x16xf32>,
      %get3A_714 = arith.index_cast %mul3A_68 : i32 to index
      %get3A_715 = tpu.vector_load %arg9[%get3A_714] {strides = array<i32>} : memref<5120xf32, #tpu.memory_space<vmem>>, vector<16xf32>,
      %get3A_716 = vector.shape_cast %get3A_715 : vector<16xf32> to vector<16xf32>
      %get3A_717 = arith.constant 80 : index
      %get3A_718 = tpu.vector_load %arg8[%get3A_717] {strides = array<i32>} : memref<128xf32, #tpu.memory_space<vmem>>, vector<16xf32>,
      %get3A_719 = vector.shape_cast %get3A_718 : vector<16xf32> to vector<16xf32>
      %mul3A_720 = arith.mulf %get3A_716, %get3A_719 : vector<16xf32>
      %add3A_721 = arith.constant 16 : i32
      %add3A_722 = arith.addi %mul3A_68, %add3A_721 : i32
      %get3A_723 = arith.index_cast %add3A_722 : i32 to index
      %get3A_724 = tpu.vector_load %arg9[%get3A_723] {strides = array<i32>} : memref<5120xf32, #tpu.memory_space<vmem>>, vector<16xf32>,
      %get3A_725 = vector.shape_cast %get3A_724 : vector<16xf32> to vector<16xf32>
      %add3A_726 = arith.constant 0 : i32
      %add3A_727 = arith.addi %mul3A_70, %add3A_726 : i32
      %get3A_728 = arith.index_cast %add3A_727 : i32 to index
      %get3A_729 = arith.constant 80 : index
      %get3A_730 = tpu.vector_load %arg7[%get3A_728, %get3A_729] {strides = array<i32>} : memref<288x128xf32, #tpu.memory_space<vmem>>, vector<1x16xf32>,
      %get3A_731 = vector.shape_cast %get3A_730 : vector<1x16xf32> to vector<16xf32>
      %mul3A_732 = arith.mulf %get3A_725, %get3A_731 : vector<16xf32>
      %add3A_733 = arith.addf %mul3A_720, %mul3A_732 : vector<16xf32>
      %add3A_734 = arith.constant 32 : i32
      %add3A_735 = arith.addi %mul3A_68, %add3A_734 : i32
      %get3A_736 = arith.index_cast %add3A_735 : i32 to index
      %get3A_737 = tpu.vector_load %arg9[%get3A_736] {strides = array<i32>} : memref<5120xf32, #tpu.memory_space<vmem>>, vector<16xf32>,
      %get3A_738 = vector.shape_cast %get3A_737 : vector<16xf32> to vector<16xf32>
      %add3A_739 = arith.constant 1 : i32
      %add3A_740 = arith.addi %mul3A_70, %add3A_739 : i32
      %get3A_741 = arith.index_cast %add3A_740 : i32 to index
      %get3A_742 = arith.constant 80 : index
      %get3A_743 = tpu.vector_load %arg7[%get3A_741, %get3A_742] {strides = array<i32>} : memref<288x128xf32, #tpu.memory_space<vmem>>, vector<1x16xf32>,
      %get3A_744 = vector.shape_cast %get3A_743 : vector<1x16xf32> to vector<16xf32>
      %mul3A_745 = arith.mulf %get3A_738, %get3A_744 : vector<16xf32>
      %add3A_746 = arith.addf %add3A_733, %mul3A_745 : vector<16xf32>
      %add3A_747 = arith.constant 48 : i32
      %add3A_748 = arith.addi %mul3A_68, %add3A_747 : i32
      %get3A_749 = arith.index_cast %add3A_748 : i32 to index
      %get3A_750 = tpu.vector_load %arg9[%get3A_749] {strides = array<i32>} : memref<5120xf32, #tpu.memory_space<vmem>>, vector<16xf32>,
      %get3A_751 = vector.shape_cast %get3A_750 : vector<16xf32> to vector<16xf32>
      %add3A_752 = arith.constant 2 : i32
      %add3A_753 = arith.addi %mul3A_70, %add3A_752 : i32
      %get3A_754 = arith.index_cast %add3A_753 : i32 to index
      %get3A_755 = arith.constant 80 : index
      %get3A_756 = tpu.vector_load %arg7[%get3A_754, %get3A_755] {strides = array<i32>} : memref<288x128xf32, #tpu.memory_space<vmem>>, vector<1x16xf32>,
      %get3A_757 = vector.shape_cast %get3A_756 : vector<1x16xf32> to vector<16xf32>
      %mul3A_758 = arith.mulf %get3A_751, %get3A_757 : vector<16xf32>
      %add3A_759 = arith.addf %add3A_746, %mul3A_758 : vector<16xf32>
      %add3A_760 = arith.constant 64 : i32
      %add3A_761 = arith.addi %mul3A_68, %add3A_760 : i32
      %get3A_762 = arith.index_cast %add3A_761 : i32 to index
      %get3A_763 = tpu.vector_load %arg9[%get3A_762] {strides = array<i32>} : memref<5120xf32, #tpu.memory_space<vmem>>, vector<16xf32>,
      %get3A_764 = vector.shape_cast %get3A_763 : vector<16xf32> to vector<16xf32>
      %add3A_765 = arith.constant 3 : i32
      %add3A_766 = arith.addi %mul3A_70, %add3A_765 : i32
      %get3A_767 = arith.index_cast %add3A_766 : i32 to index
      %get3A_768 = arith.constant 80 : index
      %get3A_769 = tpu.vector_load %arg7[%get3A_767, %get3A_768] {strides = array<i32>} : memref<288x128xf32, #tpu.memory_space<vmem>>, vector<1x16xf32>,
      %get3A_770 = vector.shape_cast %get3A_769 : vector<1x16xf32> to vector<16xf32>
      %mul3A_771 = arith.mulf %get3A_764, %get3A_770 : vector<16xf32>
      %add3A_772 = arith.addf %add3A_759, %mul3A_771 : vector<16xf32>
      %add3A_773 = arith.constant 80 : i32
      %add3A_774 = arith.addi %mul3A_68, %add3A_773 : i32
      %get3A_775 = arith.index_cast %add3A_774 : i32 to index
      %get3A_776 = tpu.vector_load %arg9[%get3A_775] {strides = array<i32>} : memref<5120xf32, #tpu.memory_space<vmem>>, vector<16xf32>,
      %get3A_777 = vector.shape_cast %get3A_776 : vector<16xf32> to vector<16xf32>
      %add3A_778 = arith.constant 4 : i32
      %add3A_779 = arith.addi %mul3A_70, %add3A_778 : i32
      %get3A_780 = arith.index_cast %add3A_779 : i32 to index
      %get3A_781 = arith.constant 80 : index
      %get3A_782 = tpu.vector_load %arg7[%get3A_780, %get3A_781] {strides = array<i32>} : memref<288x128xf32, #tpu.memory_space<vmem>>, vector<1x16xf32>,
      %get3A_783 = vector.shape_cast %get3A_782 : vector<1x16xf32> to vector<16xf32>
      %mul3A_784 = arith.mulf %get3A_777, %get3A_783 : vector<16xf32>
      %add3A_785 = arith.addf %add3A_772, %mul3A_784 : vector<16xf32>
      %add3A_786 = arith.constant 96 : i32
      %add3A_787 = arith.addi %mul3A_68, %add3A_786 : i32
      %get3A_788 = arith.index_cast %add3A_787 : i32 to index
      %get3A_789 = tpu.vector_load %arg9[%get3A_788] {strides = array<i32>} : memref<5120xf32, #tpu.memory_space<vmem>>, vector<16xf32>,
      %get3A_790 = vector.shape_cast %get3A_789 : vector<16xf32> to vector<16xf32>
      %add3A_791 = arith.constant 5 : i32
      %add3A_792 = arith.addi %mul3A_70, %add3A_791 : i32
      %get3A_793 = arith.index_cast %add3A_792 : i32 to index
      %get3A_794 = arith.constant 80 : index
      %get3A_795 = tpu.vector_load %arg7[%get3A_793, %get3A_794] {strides = array<i32>} : memref<288x128xf32, #tpu.memory_space<vmem>>, vector<1x16xf32>,
      %get3A_796 = vector.shape_cast %get3A_795 : vector<1x16xf32> to vector<16xf32>
      %mul3A_797 = arith.mulf %get3A_790, %get3A_796 : vector<16xf32>
      %add3A_798 = arith.addf %add3A_785, %mul3A_797 : vector<16xf32>
      %add3A_799 = arith.constant 112 : i32
      %add3A_800 = arith.addi %mul3A_68, %add3A_799 : i32
      %get3A_801 = arith.index_cast %add3A_800 : i32 to index
      %get3A_802 = tpu.vector_load %arg9[%get3A_801] {strides = array<i32>} : memref<5120xf32, #tpu.memory_space<vmem>>, vector<16xf32>,
      %get3A_803 = vector.shape_cast %get3A_802 : vector<16xf32> to vector<16xf32>
      %add3A_804 = arith.constant 6 : i32
      %add3A_805 = arith.addi %mul3A_70, %add3A_804 : i32
      %get3A_806 = arith.index_cast %add3A_805 : i32 to index
      %get3A_807 = arith.constant 80 : index
      %get3A_808 = tpu.vector_load %arg7[%get3A_806, %get3A_807] {strides = array<i32>} : memref<288x128xf32, #tpu.memory_space<vmem>>, vector<1x16xf32>,
      %get3A_809 = vector.shape_cast %get3A_808 : vector<1x16xf32> to vector<16xf32>
      %mul3A_810 = arith.mulf %get3A_803, %get3A_809 : vector<16xf32>
      %add3A_811 = arith.addf %add3A_798, %mul3A_810 : vector<16xf32>
      %add3A_812 = arith.constant 128 : i32
      %add3A_813 = arith.addi %mul3A_68, %add3A_812 : i32
      %get3A_814 = arith.index_cast %add3A_813 : i32 to index
      %get3A_815 = tpu.vector_load %arg9[%get3A_814] {strides = array<i32>} : memref<5120xf32, #tpu.memory_space<vmem>>, vector<16xf32>,
      %get3A_816 = vector.shape_cast %get3A_815 : vector<16xf32> to vector<16xf32>
      %add3A_817 = arith.constant 7 : i32
      %add3A_818 = arith.addi %mul3A_70, %add3A_817 : i32
      %get3A_819 = arith.index_cast %add3A_818 : i32 to index
      %get3A_820 = arith.constant 80 : index
      %get3A_821 = tpu.vector_load %arg7[%get3A_819, %get3A_820] {strides = array<i32>} : memref<288x128xf32, #tpu.memory_space<vmem>>, vector<1x16xf32>,
      %get3A_822 = vector.shape_cast %get3A_821 : vector<1x16xf32> to vector<16xf32>
      %mul3A_823 = arith.mulf %get3A_816, %get3A_822 : vector<16xf32>
      %add3A_824 = arith.addf %add3A_811, %mul3A_823 : vector<16xf32>
      %add3A_825 = arith.constant 144 : i32
      %add3A_826 = arith.addi %mul3A_68, %add3A_825 : i32
      %get3A_827 = arith.index_cast %add3A_826 : i32 to index
      %get3A_828 = tpu.vector_load %arg9[%get3A_827] {strides = array<i32>} : memref<5120xf32, #tpu.memory_space<vmem>>, vector<16xf32>,
      %get3A_829 = vector.shape_cast %get3A_828 : vector<16xf32> to vector<16xf32>
      %add3A_830 = arith.constant 8 : i32
      %add3A_831 = arith.addi %mul3A_70, %add3A_830 : i32
      %get3A_832 = arith.index_cast %add3A_831 : i32 to index
      %get3A_833 = arith.constant 80 : index
      %get3A_834 = tpu.vector_load %arg7[%get3A_832, %get3A_833] {strides = array<i32>} : memref<288x128xf32, #tpu.memory_space<vmem>>, vector<1x16xf32>,
      %get3A_835 = vector.shape_cast %get3A_834 : vector<1x16xf32> to vector<16xf32>
      %mul3A_836 = arith.mulf %get3A_829, %get3A_835 : vector<16xf32>
      %add3A_837 = arith.addf %add3A_824, %mul3A_836 : vector<16xf32>
      %swap3A_838 = arith.index_cast %scan3A_66 : i32 to index
      %swap3A_839 = arith.constant 80 : index
      %swap3A_840 = tpu.vector_load %arg10[%swap3A_838, %swap3A_839] {strides = array<i32>} : memref<32x128xf32, #tpu.memory_space<vmem>>, vector<1x16xf32>,
      %swap3A_841 = vector.shape_cast %swap3A_840 : vector<1x16xf32> to vector<16xf32>
      %swap3A_842 = vector.shape_cast %add3A_837 : vector<16xf32> to vector<1x16xf32>
      tpu.vector_store %arg10[%swap3A_838, %swap3A_839], %swap3A_842 {strides = array<i32>} : memref<32x128xf32, #tpu.memory_space<vmem>>, vector<1x16xf32>,
      %get3A_843 = arith.index_cast %mul3A_68 : i32 to index
      %get3A_844 = tpu.vector_load %arg9[%get3A_843] {strides = array<i32>} : memref<5120xf32, #tpu.memory_space<vmem>>, vector<16xf32>,
      %get3A_845 = vector.shape_cast %get3A_844 : vector<16xf32> to vector<16xf32>
      %get3A_846 = arith.constant 96 : index
      %get3A_847 = tpu.vector_load %arg8[%get3A_846] {strides = array<i32>} : memref<128xf32, #tpu.memory_space<vmem>>, vector<16xf32>,
      %get3A_848 = vector.shape_cast %get3A_847 : vector<16xf32> to vector<16xf32>
      %mul3A_849 = arith.mulf %get3A_845, %get3A_848 : vector<16xf32>
      %add3A_850 = arith.constant 16 : i32
      %add3A_851 = arith.addi %mul3A_68, %add3A_850 : i32
      %get3A_852 = arith.index_cast %add3A_851 : i32 to index
      %get3A_853 = tpu.vector_load %arg9[%get3A_852] {strides = array<i32>} : memref<5120xf32, #tpu.memory_space<vmem>>, vector<16xf32>,
      %get3A_854 = vector.shape_cast %get3A_853 : vector<16xf32> to vector<16xf32>
      %add3A_855 = arith.constant 0 : i32
      %add3A_856 = arith.addi %mul3A_70, %add3A_855 : i32
      %get3A_857 = arith.index_cast %add3A_856 : i32 to index
      %get3A_858 = arith.constant 96 : index
      %get3A_859 = tpu.vector_load %arg7[%get3A_857, %get3A_858] {strides = array<i32>} : memref<288x128xf32, #tpu.memory_space<vmem>>, vector<1x16xf32>,
      %get3A_860 = vector.shape_cast %get3A_859 : vector<1x16xf32> to vector<16xf32>
      %mul3A_861 = arith.mulf %get3A_854, %get3A_860 : vector<16xf32>
      %add3A_862 = arith.addf %mul3A_849, %mul3A_861 : vector<16xf32>
      %add3A_863 = arith.constant 32 : i32
      %add3A_864 = arith.addi %mul3A_68, %add3A_863 : i32
      %get3A_865 = arith.index_cast %add3A_864 : i32 to index
      %get3A_866 = tpu.vector_load %arg9[%get3A_865] {strides = array<i32>} : memref<5120xf32, #tpu.memory_space<vmem>>, vector<16xf32>,
      %get3A_867 = vector.shape_cast %get3A_866 : vector<16xf32> to vector<16xf32>
      %add3A_868 = arith.constant 1 : i32
      %add3A_869 = arith.addi %mul3A_70, %add3A_868 : i32
      %get3A_870 = arith.index_cast %add3A_869 : i32 to index
      %get3A_871 = arith.constant 96 : index
      %get3A_872 = tpu.vector_load %arg7[%get3A_870, %get3A_871] {strides = array<i32>} : memref<288x128xf32, #tpu.memory_space<vmem>>, vector<1x16xf32>,
      %get3A_873 = vector.shape_cast %get3A_872 : vector<1x16xf32> to vector<16xf32>
      %mul3A_874 = arith.mulf %get3A_867, %get3A_873 : vector<16xf32>
      %add3A_875 = arith.addf %add3A_862, %mul3A_874 : vector<16xf32>
      %add3A_876 = arith.constant 48 : i32
      %add3A_877 = arith.addi %mul3A_68, %add3A_876 : i32
      %get3A_878 = arith.index_cast %add3A_877 : i32 to index
      %get3A_879 = tpu.vector_load %arg9[%get3A_878] {strides = array<i32>} : memref<5120xf32, #tpu.memory_space<vmem>>, vector<16xf32>,
      %get3A_880 = vector.shape_cast %get3A_879 : vector<16xf32> to vector<16xf32>
      %add3A_881 = arith.constant 2 : i32
      %add3A_882 = arith.addi %mul3A_70, %add3A_881 : i32
      %get3A_883 = arith.index_cast %add3A_882 : i32 to index
      %get3A_884 = arith.constant 96 : index
      %get3A_885 = tpu.vector_load %arg7[%get3A_883, %get3A_884] {strides = array<i32>} : memref<288x128xf32, #tpu.memory_space<vmem>>, vector<1x16xf32>,
      %get3A_886 = vector.shape_cast %get3A_885 : vector<1x16xf32> to vector<16xf32>
      %mul3A_887 = arith.mulf %get3A_880, %get3A_886 : vector<16xf32>
      %add3A_888 = arith.addf %add3A_875, %mul3A_887 : vector<16xf32>
      %add3A_889 = arith.constant 64 : i32
      %add3A_890 = arith.addi %mul3A_68, %add3A_889 : i32
      %get3A_891 = arith.index_cast %add3A_890 : i32 to index
      %get3A_892 = tpu.vector_load %arg9[%get3A_891] {strides = array<i32>} : memref<5120xf32, #tpu.memory_space<vmem>>, vector<16xf32>,
      %get3A_893 = vector.shape_cast %get3A_892 : vector<16xf32> to vector<16xf32>
      %add3A_894 = arith.constant 3 : i32
      %add3A_895 = arith.addi %mul3A_70, %add3A_894 : i32
      %get3A_896 = arith.index_cast %add3A_895 : i32 to index
      %get3A_897 = arith.constant 96 : index
      %get3A_898 = tpu.vector_load %arg7[%get3A_896, %get3A_897] {strides = array<i32>} : memref<288x128xf32, #tpu.memory_space<vmem>>, vector<1x16xf32>,
      %get3A_899 = vector.shape_cast %get3A_898 : vector<1x16xf32> to vector<16xf32>
      %mul3A_900 = arith.mulf %get3A_893, %get3A_899 : vector<16xf32>
      %add3A_901 = arith.addf %add3A_888, %mul3A_900 : vector<16xf32>
      %add3A_902 = arith.constant 80 : i32
      %add3A_903 = arith.addi %mul3A_68, %add3A_902 : i32
      %get3A_904 = arith.index_cast %add3A_903 : i32 to index
      %get3A_905 = tpu.vector_load %arg9[%get3A_904] {strides = array<i32>} : memref<5120xf32, #tpu.memory_space<vmem>>, vector<16xf32>,
      %get3A_906 = vector.shape_cast %get3A_905 : vector<16xf32> to vector<16xf32>
      %add3A_907 = arith.constant 4 : i32
      %add3A_908 = arith.addi %mul3A_70, %add3A_907 : i32
      %get3A_909 = arith.index_cast %add3A_908 : i32 to index
      %get3A_910 = arith.constant 96 : index
      %get3A_911 = tpu.vector_load %arg7[%get3A_909, %get3A_910] {strides = array<i32>} : memref<288x128xf32, #tpu.memory_space<vmem>>, vector<1x16xf32>,
      %get3A_912 = vector.shape_cast %get3A_911 : vector<1x16xf32> to vector<16xf32>
      %mul3A_913 = arith.mulf %get3A_906, %get3A_912 : vector<16xf32>
      %add3A_914 = arith.addf %add3A_901, %mul3A_913 : vector<16xf32>
      %add3A_915 = arith.constant 96 : i32
      %add3A_916 = arith.addi %mul3A_68, %add3A_915 : i32
      %get3A_917 = arith.index_cast %add3A_916 : i32 to index
      %get3A_918 = tpu.vector_load %arg9[%get3A_917] {strides = array<i32>} : memref<5120xf32, #tpu.memory_space<vmem>>, vector<16xf32>,
      %get3A_919 = vector.shape_cast %get3A_918 : vector<16xf32> to vector<16xf32>
      %add3A_920 = arith.constant 5 : i32
      %add3A_921 = arith.addi %mul3A_70, %add3A_920 : i32
      %get3A_922 = arith.index_cast %add3A_921 : i32 to index
      %get3A_923 = arith.constant 96 : index
      %get3A_924 = tpu.vector_load %arg7[%get3A_922, %get3A_923] {strides = array<i32>} : memref<288x128xf32, #tpu.memory_space<vmem>>, vector<1x16xf32>,
      %get3A_925 = vector.shape_cast %get3A_924 : vector<1x16xf32> to vector<16xf32>
      %mul3A_926 = arith.mulf %get3A_919, %get3A_925 : vector<16xf32>
      %add3A_927 = arith.addf %add3A_914, %mul3A_926 : vector<16xf32>
      %add3A_928 = arith.constant 112 : i32
      %add3A_929 = arith.addi %mul3A_68, %add3A_928 : i32
      %get3A_930 = arith.index_cast %add3A_929 : i32 to index
      %get3A_931 = tpu.vector_load %arg9[%get3A_930] {strides = array<i32>} : memref<5120xf32, #tpu.memory_space<vmem>>, vector<16xf32>,
      %get3A_932 = vector.shape_cast %get3A_931 : vector<16xf32> to vector<16xf32>
      %add3A_933 = arith.constant 6 : i32
      %add3A_934 = arith.addi %mul3A_70, %add3A_933 : i32
      %get3A_935 = arith.index_cast %add3A_934 : i32 to index
      %get3A_936 = arith.constant 96 : index
      %get3A_937 = tpu.vector_load %arg7[%get3A_935, %get3A_936] {strides = array<i32>} : memref<288x128xf32, #tpu.memory_space<vmem>>, vector<1x16xf32>,
      %get3A_938 = vector.shape_cast %get3A_937 : vector<1x16xf32> to vector<16xf32>
      %mul3A_939 = arith.mulf %get3A_932, %get3A_938 : vector<16xf32>
      %add3A_940 = arith.addf %add3A_927, %mul3A_939 : vector<16xf32>
      %add3A_941 = arith.constant 128 : i32
      %add3A_942 = arith.addi %mul3A_68, %add3A_941 : i32
      %get3A_943 = arith.index_cast %add3A_942 : i32 to index
      %get3A_944 = tpu.vector_load %arg9[%get3A_943] {strides = array<i32>} : memref<5120xf32, #tpu.memory_space<vmem>>, vector<16xf32>,
      %get3A_945 = vector.shape_cast %get3A_944 : vector<16xf32> to vector<16xf32>
      %add3A_946 = arith.constant 7 : i32
      %add3A_947 = arith.addi %mul3A_70, %add3A_946 : i32
      %get3A_948 = arith.index_cast %add3A_947 : i32 to index
      %get3A_949 = arith.constant 96 : index
      %get3A_950 = tpu.vector_load %arg7[%get3A_948, %get3A_949] {strides = array<i32>} : memref<288x128xf32, #tpu.memory_space<vmem>>, vector<1x16xf32>,
      %get3A_951 = vector.shape_cast %get3A_950 : vector<1x16xf32> to vector<16xf32>
      %mul3A_952 = arith.mulf %get3A_945, %get3A_951 : vector<16xf32>
      %add3A_953 = arith.addf %add3A_940, %mul3A_952 : vector<16xf32>
      %add3A_954 = arith.constant 144 : i32
      %add3A_955 = arith.addi %mul3A_68, %add3A_954 : i32
      %get3A_956 = arith.index_cast %add3A_955 : i32 to index
      %get3A_957 = tpu.vector_load %arg9[%get3A_956] {strides = array<i32>} : memref<5120xf32, #tpu.memory_space<vmem>>, vector<16xf32>,
      %get3A_958 = vector.shape_cast %get3A_957 : vector<16xf32> to vector<16xf32>
      %add3A_959 = arith.constant 8 : i32
      %add3A_960 = arith.addi %mul3A_70, %add3A_959 : i32
      %get3A_961 = arith.index_cast %add3A_960 : i32 to index
      %get3A_962 = arith.constant 96 : index
      %get3A_963 = tpu.vector_load %arg7[%get3A_961, %get3A_962] {strides = array<i32>} : memref<288x128xf32, #tpu.memory_space<vmem>>, vector<1x16xf32>,
      %get3A_964 = vector.shape_cast %get3A_963 : vector<1x16xf32> to vector<16xf32>
      %mul3A_965 = arith.mulf %get3A_958, %get3A_964 : vector<16xf32>
      %add3A_966 = arith.addf %add3A_953, %mul3A_965 : vector<16xf32>
      %swap3A_967 = arith.index_cast %scan3A_66 : i32 to index
      %swap3A_968 = arith.constant 96 : index
      %swap3A_969 = tpu.vector_load %arg10[%swap3A_967, %swap3A_968] {strides = array<i32>} : memref<32x128xf32, #tpu.memory_space<vmem>>, vector<1x16xf32>,
      %swap3A_970 = vector.shape_cast %swap3A_969 : vector<1x16xf32> to vector<16xf32>
      %swap3A_971 = vector.shape_cast %add3A_966 : vector<16xf32> to vector<1x16xf32>
      tpu.vector_store %arg10[%swap3A_967, %swap3A_968], %swap3A_971 {strides = array<i32>} : memref<32x128xf32, #tpu.memory_space<vmem>>, vector<1x16xf32>,
      %get3A_972 = arith.index_cast %mul3A_68 : i32 to index
      %get3A_973 = tpu.vector_load %arg9[%get3A_972] {strides = array<i32>} : memref<5120xf32, #tpu.memory_space<vmem>>, vector<16xf32>,
      %get3A_974 = vector.shape_cast %get3A_973 : vector<16xf32> to vector<16xf32>
      %get3A_975 = arith.constant 112 : index
      %get3A_976 = tpu.vector_load %arg8[%get3A_975] {strides = array<i32>} : memref<128xf32, #tpu.memory_space<vmem>>, vector<16xf32>,
      %get3A_977 = vector.shape_cast %get3A_976 : vector<16xf32> to vector<16xf32>
      %mul3A_978 = arith.mulf %get3A_974, %get3A_977 : vector<16xf32>
      %add3A_979 = arith.constant 16 : i32
      %add3A_980 = arith.addi %mul3A_68, %add3A_979 : i32
      %get3A_981 = arith.index_cast %add3A_980 : i32 to index
      %get3A_982 = tpu.vector_load %arg9[%get3A_981] {strides = array<i32>} : memref<5120xf32, #tpu.memory_space<vmem>>, vector<16xf32>,
      %get3A_983 = vector.shape_cast %get3A_982 : vector<16xf32> to vector<16xf32>
      %add3A_984 = arith.constant 0 : i32
      %add3A_985 = arith.addi %mul3A_70, %add3A_984 : i32
      %get3A_986 = arith.index_cast %add3A_985 : i32 to index
      %get3A_987 = arith.constant 112 : index
      %get3A_988 = tpu.vector_load %arg7[%get3A_986, %get3A_987] {strides = array<i32>} : memref<288x128xf32, #tpu.memory_space<vmem>>, vector<1x16xf32>,
      %get3A_989 = vector.shape_cast %get3A_988 : vector<1x16xf32> to vector<16xf32>
      %mul3A_990 = arith.mulf %get3A_983, %get3A_989 : vector<16xf32>
      %add3A_991 = arith.addf %mul3A_978, %mul3A_990 : vector<16xf32>
      %add3A_992 = arith.constant 32 : i32
      %add3A_993 = arith.addi %mul3A_68, %add3A_992 : i32
      %get3A_994 = arith.index_cast %add3A_993 : i32 to index
      %get3A_995 = tpu.vector_load %arg9[%get3A_994] {strides = array<i32>} : memref<5120xf32, #tpu.memory_space<vmem>>, vector<16xf32>,
      %get3A_996 = vector.shape_cast %get3A_995 : vector<16xf32> to vector<16xf32>
      %add3A_997 = arith.constant 1 : i32
      %add3A_998 = arith.addi %mul3A_70, %add3A_997 : i32
      %get3A_999 = arith.index_cast %add3A_998 : i32 to index
      %get3A_1000 = arith.constant 112 : index
      %get3A_1001 = tpu.vector_load %arg7[%get3A_999, %get3A_1000] {strides = array<i32>} : memref<288x128xf32, #tpu.memory_space<vmem>>, vector<1x16xf32>,
      %get3A_1002 = vector.shape_cast %get3A_1001 : vector<1x16xf32> to vector<16xf32>
      %mul3A_1003 = arith.mulf %get3A_996, %get3A_1002 : vector<16xf32>
      %add3A_1004 = arith.addf %add3A_991, %mul3A_1003 : vector<16xf32>
      %add3A_1005 = arith.constant 48 : i32
      %add3A_1006 = arith.addi %mul3A_68, %add3A_1005 : i32
      %get3A_1007 = arith.index_cast %add3A_1006 : i32 to index
      %get3A_1008 = tpu.vector_load %arg9[%get3A_1007] {strides = array<i32>} : memref<5120xf32, #tpu.memory_space<vmem>>, vector<16xf32>,
      %get3A_1009 = vector.shape_cast %get3A_1008 : vector<16xf32> to vector<16xf32>
      %add3A_1010 = arith.constant 2 : i32
      %add3A_1011 = arith.addi %mul3A_70, %add3A_1010 : i32
      %get3A_1012 = arith.index_cast %add3A_1011 : i32 to index
      %get3A_1013 = arith.constant 112 : index
      %get3A_1014 = tpu.vector_load %arg7[%get3A_1012, %get3A_1013] {strides = array<i32>} : memref<288x128xf32, #tpu.memory_space<vmem>>, vector<1x16xf32>,
      %get3A_1015 = vector.shape_cast %get3A_1014 : vector<1x16xf32> to vector<16xf32>
      %mul3A_1016 = arith.mulf %get3A_1009, %get3A_1015 : vector<16xf32>
      %add3A_1017 = arith.addf %add3A_1004, %mul3A_1016 : vector<16xf32>
      %add3A_1018 = arith.constant 64 : i32
      %add3A_1019 = arith.addi %mul3A_68, %add3A_1018 : i32
      %get3A_1020 = arith.index_cast %add3A_1019 : i32 to index
      %get3A_1021 = tpu.vector_load %arg9[%get3A_1020] {strides = array<i32>} : memref<5120xf32, #tpu.memory_space<vmem>>, vector<16xf32>,
      %get3A_1022 = vector.shape_cast %get3A_1021 : vector<16xf32> to vector<16xf32>
      %add3A_1023 = arith.constant 3 : i32
      %add3A_1024 = arith.addi %mul3A_70, %add3A_1023 : i32
      %get3A_1025 = arith.index_cast %add3A_1024 : i32 to index
      %get3A_1026 = arith.constant 112 : index
      %get3A_1027 = tpu.vector_load %arg7[%get3A_1025, %get3A_1026] {strides = array<i32>} : memref<288x128xf32, #tpu.memory_space<vmem>>, vector<1x16xf32>,
      %get3A_1028 = vector.shape_cast %get3A_1027 : vector<1x16xf32> to vector<16xf32>
      %mul3A_1029 = arith.mulf %get3A_1022, %get3A_1028 : vector<16xf32>
      %add3A_1030 = arith.addf %add3A_1017, %mul3A_1029 : vector<16xf32>
      %add3A_1031 = arith.constant 80 : i32
      %add3A_1032 = arith.addi %mul3A_68, %add3A_1031 : i32
      %get3A_1033 = arith.index_cast %add3A_1032 : i32 to index
      %get3A_1034 = tpu.vector_load %arg9[%get3A_1033] {strides = array<i32>} : memref<5120xf32, #tpu.memory_space<vmem>>, vector<16xf32>,
      %get3A_1035 = vector.shape_cast %get3A_1034 : vector<16xf32> to vector<16xf32>
      %add3A_1036 = arith.constant 4 : i32
      %add3A_1037 = arith.addi %mul3A_70, %add3A_1036 : i32
      %get3A_1038 = arith.index_cast %add3A_1037 : i32 to index
      %get3A_1039 = arith.constant 112 : index
      %get3A_1040 = tpu.vector_load %arg7[%get3A_1038, %get3A_1039] {strides = array<i32>} : memref<288x128xf32, #tpu.memory_space<vmem>>, vector<1x16xf32>,
      %get3A_1041 = vector.shape_cast %get3A_1040 : vector<1x16xf32> to vector<16xf32>
      %mul3A_1042 = arith.mulf %get3A_1035, %get3A_1041 : vector<16xf32>
      %add3A_1043 = arith.addf %add3A_1030, %mul3A_1042 : vector<16xf32>
      %add3A_1044 = arith.constant 96 : i32
      %add3A_1045 = arith.addi %mul3A_68, %add3A_1044 : i32
      %get3A_1046 = arith.index_cast %add3A_1045 : i32 to index
      %get3A_1047 = tpu.vector_load %arg9[%get3A_1046] {strides = array<i32>} : memref<5120xf32, #tpu.memory_space<vmem>>, vector<16xf32>,
      %get3A_1048 = vector.shape_cast %get3A_1047 : vector<16xf32> to vector<16xf32>
      %add3A_1049 = arith.constant 5 : i32
      %add3A_1050 = arith.addi %mul3A_70, %add3A_1049 : i32
      %get3A_1051 = arith.index_cast %add3A_1050 : i32 to index
      %get3A_1052 = arith.constant 112 : index
      %get3A_1053 = tpu.vector_load %arg7[%get3A_1051, %get3A_1052] {strides = array<i32>} : memref<288x128xf32, #tpu.memory_space<vmem>>, vector<1x16xf32>,
      %get3A_1054 = vector.shape_cast %get3A_1053 : vector<1x16xf32> to vector<16xf32>
      %mul3A_1055 = arith.mulf %get3A_1048, %get3A_1054 : vector<16xf32>
      %add3A_1056 = arith.addf %add3A_1043, %mul3A_1055 : vector<16xf32>
      %add3A_1057 = arith.constant 112 : i32
      %add3A_1058 = arith.addi %mul3A_68, %add3A_1057 : i32
      %get3A_1059 = arith.index_cast %add3A_1058 : i32 to index
      %get3A_1060 = tpu.vector_load %arg9[%get3A_1059] {strides = array<i32>} : memref<5120xf32, #tpu.memory_space<vmem>>, vector<16xf32>,
      %get3A_1061 = vector.shape_cast %get3A_1060 : vector<16xf32> to vector<16xf32>
      %add3A_1062 = arith.constant 6 : i32
      %add3A_1063 = arith.addi %mul3A_70, %add3A_1062 : i32
      %get3A_1064 = arith.index_cast %add3A_1063 : i32 to index
      %get3A_1065 = arith.constant 112 : index
      %get3A_1066 = tpu.vector_load %arg7[%get3A_1064, %get3A_1065] {strides = array<i32>} : memref<288x128xf32, #tpu.memory_space<vmem>>, vector<1x16xf32>,
      %get3A_1067 = vector.shape_cast %get3A_1066 : vector<1x16xf32> to vector<16xf32>
      %mul3A_1068 = arith.mulf %get3A_1061, %get3A_1067 : vector<16xf32>
      %add3A_1069 = arith.addf %add3A_1056, %mul3A_1068 : vector<16xf32>
      %add3A_1070 = arith.constant 128 : i32
      %add3A_1071 = arith.addi %mul3A_68, %add3A_1070 : i32
      %get3A_1072 = arith.index_cast %add3A_1071 : i32 to index
      %get3A_1073 = tpu.vector_load %arg9[%get3A_1072] {strides = array<i32>} : memref<5120xf32, #tpu.memory_space<vmem>>, vector<16xf32>,
      %get3A_1074 = vector.shape_cast %get3A_1073 : vector<16xf32> to vector<16xf32>
      %add3A_1075 = arith.constant 7 : i32
      %add3A_1076 = arith.addi %mul3A_70, %add3A_1075 : i32
      %get3A_1077 = arith.index_cast %add3A_1076 : i32 to index
      %get3A_1078 = arith.constant 112 : index
      %get3A_1079 = tpu.vector_load %arg7[%get3A_1077, %get3A_1078] {strides = array<i32>} : memref<288x128xf32, #tpu.memory_space<vmem>>, vector<1x16xf32>,
      %get3A_1080 = vector.shape_cast %get3A_1079 : vector<1x16xf32> to vector<16xf32>
      %mul3A_1081 = arith.mulf %get3A_1074, %get3A_1080 : vector<16xf32>
      %add3A_1082 = arith.addf %add3A_1069, %mul3A_1081 : vector<16xf32>
      %add3A_1083 = arith.constant 144 : i32
      %add3A_1084 = arith.addi %mul3A_68, %add3A_1083 : i32
      %get3A_1085 = arith.index_cast %add3A_1084 : i32 to index
      %get3A_1086 = tpu.vector_load %arg9[%get3A_1085] {strides = array<i32>} : memref<5120xf32, #tpu.memory_space<vmem>>, vector<16xf32>,
      %get3A_1087 = vector.shape_cast %get3A_1086 : vector<16xf32> to vector<16xf32>
      %add3A_1088 = arith.constant 8 : i32
      %add3A_1089 = arith.addi %mul3A_70, %add3A_1088 : i32
      %get3A_1090 = arith.index_cast %add3A_1089 : i32 to index
      %get3A_1091 = arith.constant 112 : index
      %get3A_1092 = tpu.vector_load %arg7[%get3A_1090, %get3A_1091] {strides = array<i32>} : memref<288x128xf32, #tpu.memory_space<vmem>>, vector<1x16xf32>,
      %get3A_1093 = vector.shape_cast %get3A_1092 : vector<1x16xf32> to vector<16xf32>
      %mul3A_1094 = arith.mulf %get3A_1087, %get3A_1093 : vector<16xf32>
      %add3A_1095 = arith.addf %add3A_1082, %mul3A_1094 : vector<16xf32>
      %swap3A_1096 = arith.index_cast %scan3A_66 : i32 to index
      %swap3A_1097 = arith.constant 112 : index
      %swap3A_1098 = tpu.vector_load %arg10[%swap3A_1096, %swap3A_1097] {strides = array<i32>} : memref<32x128xf32, #tpu.memory_space<vmem>>, vector<1x16xf32>,
      %swap3A_1099 = vector.shape_cast %swap3A_1098 : vector<1x16xf32> to vector<16xf32>
      %swap3A_1100 = vector.shape_cast %add3A_1095 : vector<16xf32> to vector<1x16xf32>
      tpu.vector_store %arg10[%swap3A_1096, %swap3A_1097], %swap3A_1100 {strides = array<i32>} : memref<32x128xf32, #tpu.memory_space<vmem>>, vector<1x16xf32>,
    }
    %scan3A_63 = arith.constant 32 : i32
    %mul3A_64 = arith.constant 32 : i32
    %mul3A_65 = arith.muli %add3A, %mul3A_64 : i32
    "tpu.region"() ({
      %run_scoped3A_66 = tpu.sem_alloc : memref<!tpu.dma_semaphore, #tpu.memory_space<semaphore_mem>>
      %dma_start3A_67 = arith.constant 0 : i32
      %dma_start3A_68 = tpu.memref_slice %arg5[%mul3A_65, %dma_start3A_67] : memref<1024x128xf32, #tpu.memory_space<hbm>> -> memref<32x128xf32, #tpu.memory_space<hbm>>
      %dma_start3A_69 = arith.constant 0 : i32
      %dma_start3A_70 = tpu.memref_slice %arg5[%mul3A_65, %dma_start3A_69] : memref<1024x128xf32, #tpu.memory_space<hbm>> -> memref<32x128xf32, #tpu.memory_space<hbm>>
      tpu.enqueue_dma source(%arg10 : memref<32x128xf32, #tpu.memory_space<vmem>>) target(%dma_start3A_70 : memref<32x128xf32, #tpu.memory_space<hbm>>) target_semaphore(%run_scoped3A_66 : memref<!tpu.dma_semaphore, #tpu.memory_space<semaphore_mem>>)
      %dma_wait3A_71 = arith.constant 0 : i32
      %dma_wait3A_72 = tpu.memref_slice %arg5[%mul3A_65, %dma_wait3A_71] : memref<1024x128xf32, #tpu.memory_space<hbm>> -> memref<32x128xf32, #tpu.memory_space<hbm>>
      %dma_wait3A_73 = arith.constant 0 : i32
      %dma_wait3A_74 = tpu.memref_slice %arg5[%mul3A_65, %dma_wait3A_73] : memref<1024x128xf32, #tpu.memory_space<hbm>> -> memref<32x128xf32, #tpu.memory_space<hbm>>
      tpu.wait_dma2 semaphore(%run_scoped3A_66 : memref<!tpu.dma_semaphore, #tpu.memory_space<semaphore_mem>>) src(%arg10 : memref<32x128xf32, #tpu.memory_space<vmem>>) dst(%dma_wait3A_74 : memref<32x128xf32, #tpu.memory_space<hbm>>)
      tpu.yield
    }) : () -> ()
    return
  }
}

module attributes {stable_mosaic.version = 14 : i64} {
  func.func @_stats_kernel(%arg0: i32, %arg1: memref<1xi32, #tpu.memory_space<smem>>, %arg2: memref<1024xi32, #tpu.memory_space<smem>>, %arg3: memref<3xf32, #tpu.memory_space<smem>>, %arg4: memref<1024x100000xf32, #tpu.memory_space<any>>, %arg5: memref<1024x9xi32, #tpu.memory_space<vmem>>, %arg6: memref<1024x10x16xf32, #tpu.memory_space<vmem>>, %arg7: memref<1024x9xi32, #tpu.memory_space<vmem>>, %arg8: memref<1024x10x16xf32, #tpu.memory_space<vmem>>, %arg9: memref<8x100000xf32, #tpu.memory_space<vmem>>, %arg10: memref<!tpu.dma_semaphore, #tpu.memory_space<semaphore_mem>>) attributes {dimension_semantics = [#tpu.dimension_semantics<arbitrary>], iteration_bounds = array<i64: 1>, scalar_prefetch = 3 : i64, scratch_operands = 2 : i64, tpu.core_type = #tpu.core_type<tc>, window_params = [{}, {pipeline_mode = #tpu.pipeline_mode<synchronous>, transform_indices = @transform_1, window_bounds = array<i64: 1024, 9>}, {pipeline_mode = #tpu.pipeline_mode<synchronous>, transform_indices = @transform_2, window_bounds = array<i64: 1024, 10, 16>}, {pipeline_mode = #tpu.pipeline_mode<synchronous>, transform_indices = @transform_3, window_bounds = array<i64: 1024, 9>}, {pipeline_mode = #tpu.pipeline_mode<synchronous>, transform_indices = @transform_4, window_bounds = array<i64: 1024, 10, 16>}]} {
    %get3A = arith.constant 0 : index
    %get3A_0 = memref.load %arg1[%get3A] : memref<1xi32, #tpu.memory_space<smem>>
    %get3A_1 = arith.constant 0 : index
    %get3A_2 = memref.load %arg3[%get3A_1] : memref<3xf32, #tpu.memory_space<smem>>
    %get3A_3 = arith.constant 1 : index
    %get3A_4 = memref.load %arg3[%get3A_3] : memref<3xf32, #tpu.memory_space<smem>>
    %get3A_5 = arith.constant 2 : index
    %get3A_6 = memref.load %arg3[%get3A_5] : memref<3xf32, #tpu.memory_space<smem>>
    %get3A_7 = arith.constant 0 : index
    %get3A_8 = arith.constant 0 : index
    %get3A_9 = vector.load %arg5[%get3A_7, %get3A_8] : memref<1024x9xi32, #tpu.memory_space<vmem>>, vector<1024x9xi32>
    %swap3A = arith.constant 0 : index
    %swap3A_10 = arith.constant 0 : index
    %swap3A_11 = vector.load %arg7[%swap3A, %swap3A_10] : memref<1024x9xi32, #tpu.memory_space<vmem>>, vector<1024x9xi32>
    tpu.vector_store %arg7[%swap3A, %swap3A_10], %get3A_9 {strides = array<i32>} : memref<1024x9xi32, #tpu.memory_space<vmem>>, vector<1024x9xi32>,
    %get3A_12 = arith.constant 0 : index
    %get3A_13 = arith.constant 0 : index
    %get3A_14 = arith.constant 0 : index
    %get3A_15 = vector.load %arg6[%get3A_12, %get3A_13, %get3A_14] : memref<1024x10x16xf32, #tpu.memory_space<vmem>>, vector<1024x10x16xf32>
    %swap3A_16 = arith.constant 0 : index
    %swap3A_17 = arith.constant 0 : index
    %swap3A_18 = arith.constant 0 : index
    %swap3A_19 = vector.load %arg8[%swap3A_16, %swap3A_17, %swap3A_18] : memref<1024x10x16xf32, #tpu.memory_space<vmem>>, vector<1024x10x16xf32>
    tpu.vector_store %arg8[%swap3A_16, %swap3A_17, %swap3A_18], %get3A_15 {strides = array<i32>} : memref<1024x10x16xf32, #tpu.memory_space<vmem>>, vector<1024x10x16xf32>,
    %scan3A = arith.constant 0 : i32
    %scan3A_20 = arith.constant 128 : i32
    %scan3A_21 = arith.addi %scan3A, %scan3A_20 : i32
    %scan3A_22 = arith.constant 1 : i32
    scf.for %scan3A_24 = %scan3A to %scan3A_21 step %scan3A_22  : i32 {
      %mul3A = arith.constant 8 : i32
      %mul3A_25 = arith.muli %scan3A_24, %mul3A : i32
      %lt3A = arith.cmpi slt, %mul3A_25, %get3A_0 : i32
      %convert_element_type3A = arith.extui %lt3A : i1 to i32
      %cond3A = arith.constant 0 : i32
      %cond3A_26 = arith.cmpi ne, %convert_element_type3A, %cond3A : i32
      scf.if %cond3A_26 {
        %mul3A_27 = arith.constant 8 : i32
        %mul3A_28 = arith.muli %scan3A_24, %mul3A_27 : i32
        %add3A = arith.constant 0 : i32
        %add3A_29 = arith.addi %mul3A_28, %add3A : i32
        %get3A_30 = arith.index_cast %add3A_29 : i32 to index
        %get3A_31 = memref.load %arg2[%get3A_30] : memref<1024xi32, #tpu.memory_space<smem>>
        %mul3A_32 = arith.constant 8 : i32
        %mul3A_33 = arith.muli %scan3A_24, %mul3A_32 : i32
        %add3A_34 = arith.constant 1 : i32
        %add3A_35 = arith.addi %mul3A_33, %add3A_34 : i32
        %get3A_36 = arith.index_cast %add3A_35 : i32 to index
        %get3A_37 = memref.load %arg2[%get3A_36] : memref<1024xi32, #tpu.memory_space<smem>>
        %mul3A_38 = arith.constant 8 : i32
        %mul3A_39 = arith.muli %scan3A_24, %mul3A_38 : i32
        %add3A_40 = arith.constant 2 : i32
        %add3A_41 = arith.addi %mul3A_39, %add3A_40 : i32
        %get3A_42 = arith.index_cast %add3A_41 : i32 to index
        %get3A_43 = memref.load %arg2[%get3A_42] : memref<1024xi32, #tpu.memory_space<smem>>
        %mul3A_44 = arith.constant 8 : i32
        %mul3A_45 = arith.muli %scan3A_24, %mul3A_44 : i32
        %add3A_46 = arith.constant 3 : i32
        %add3A_47 = arith.addi %mul3A_45, %add3A_46 : i32
        %get3A_48 = arith.index_cast %add3A_47 : i32 to index
        %get3A_49 = memref.load %arg2[%get3A_48] : memref<1024xi32, #tpu.memory_space<smem>>
        %mul3A_50 = arith.constant 8 : i32
        %mul3A_51 = arith.muli %scan3A_24, %mul3A_50 : i32
        %add3A_52 = arith.constant 4 : i32
        %add3A_53 = arith.addi %mul3A_51, %add3A_52 : i32
        %get3A_54 = arith.index_cast %add3A_53 : i32 to index
        %get3A_55 = memref.load %arg2[%get3A_54] : memref<1024xi32, #tpu.memory_space<smem>>
        %mul3A_56 = arith.constant 8 : i32
        %mul3A_57 = arith.muli %scan3A_24, %mul3A_56 : i32
        %add3A_58 = arith.constant 5 : i32
        %add3A_59 = arith.addi %mul3A_57, %add3A_58 : i32
        %get3A_60 = arith.index_cast %add3A_59 : i32 to index
        %get3A_61 = memref.load %arg2[%get3A_60] : memref<1024xi32, #tpu.memory_space<smem>>
        %mul3A_62 = arith.constant 8 : i32
        %mul3A_63 = arith.muli %scan3A_24, %mul3A_62 : i32
        %add3A_64 = arith.constant 6 : i32
        %add3A_65 = arith.addi %mul3A_63, %add3A_64 : i32
        %get3A_66 = arith.index_cast %add3A_65 : i32 to index
        %get3A_67 = memref.load %arg2[%get3A_66] : memref<1024xi32, #tpu.memory_space<smem>>
        %mul3A_68 = arith.constant 8 : i32
        %mul3A_69 = arith.muli %scan3A_24, %mul3A_68 : i32
        %add3A_70 = arith.constant 7 : i32
        %add3A_71 = arith.addi %mul3A_69, %add3A_70 : i32
        %get3A_72 = arith.index_cast %add3A_71 : i32 to index
        %get3A_73 = memref.load %arg2[%get3A_72] : memref<1024xi32, #tpu.memory_space<smem>>
        %dma_start3A = arith.constant 0 : i32
        %dma_start3A_74 = arith.constant 0 : i32
        %dma_start3A_75 = tpu.memref_slice %arg9[%dma_start3A, %dma_start3A_74] : memref<8x100000xf32, #tpu.memory_space<vmem>> -> memref<1x100000xf32, #tpu.memory_space<vmem>>
        %dma_start3A_76 = arith.constant 0 : i32
        %dma_start3A_77 = tpu.memref_slice %arg4[%get3A_31, %dma_start3A_76] : memref<1024x100000xf32, #tpu.memory_space<any>> -> memref<1x100000xf32, #tpu.memory_space<any>>
        tpu.enqueue_dma source(%dma_start3A_77 : memref<1x100000xf32, #tpu.memory_space<any>>) target(%dma_start3A_75 : memref<1x100000xf32, #tpu.memory_space<vmem>>) target_semaphore(%arg10 : memref<!tpu.dma_semaphore, #tpu.memory_space<semaphore_mem>>)
        %dma_start3A_78 = arith.constant 1 : i32
        %dma_start3A_79 = arith.constant 0 : i32
        %dma_start3A_80 = tpu.memref_slice %arg9[%dma_start3A_78, %dma_start3A_79] : memref<8x100000xf32, #tpu.memory_space<vmem>> -> memref<1x100000xf32, #tpu.memory_space<vmem>>
        %dma_start3A_81 = arith.constant 0 : i32
        %dma_start3A_82 = tpu.memref_slice %arg4[%get3A_37, %dma_start3A_81] : memref<1024x100000xf32, #tpu.memory_space<any>> -> memref<1x100000xf32, #tpu.memory_space<any>>
        tpu.enqueue_dma source(%dma_start3A_82 : memref<1x100000xf32, #tpu.memory_space<any>>) target(%dma_start3A_80 : memref<1x100000xf32, #tpu.memory_space<vmem>>) target_semaphore(%arg10 : memref<!tpu.dma_semaphore, #tpu.memory_space<semaphore_mem>>)
        %dma_start3A_83 = arith.constant 2 : i32
        %dma_start3A_84 = arith.constant 0 : i32
        %dma_start3A_85 = tpu.memref_slice %arg9[%dma_start3A_83, %dma_start3A_84] : memref<8x100000xf32, #tpu.memory_space<vmem>> -> memref<1x100000xf32, #tpu.memory_space<vmem>>
        %dma_start3A_86 = arith.constant 0 : i32
        %dma_start3A_87 = tpu.memref_slice %arg4[%get3A_43, %dma_start3A_86] : memref<1024x100000xf32, #tpu.memory_space<any>> -> memref<1x100000xf32, #tpu.memory_space<any>>
        tpu.enqueue_dma source(%dma_start3A_87 : memref<1x100000xf32, #tpu.memory_space<any>>) target(%dma_start3A_85 : memref<1x100000xf32, #tpu.memory_space<vmem>>) target_semaphore(%arg10 : memref<!tpu.dma_semaphore, #tpu.memory_space<semaphore_mem>>)
        %dma_start3A_88 = arith.constant 3 : i32
        %dma_start3A_89 = arith.constant 0 : i32
        %dma_start3A_90 = tpu.memref_slice %arg9[%dma_start3A_88, %dma_start3A_89] : memref<8x100000xf32, #tpu.memory_space<vmem>> -> memref<1x100000xf32, #tpu.memory_space<vmem>>
        %dma_start3A_91 = arith.constant 0 : i32
        %dma_start3A_92 = tpu.memref_slice %arg4[%get3A_49, %dma_start3A_91] : memref<1024x100000xf32, #tpu.memory_space<any>> -> memref<1x100000xf32, #tpu.memory_space<any>>
        tpu.enqueue_dma source(%dma_start3A_92 : memref<1x100000xf32, #tpu.memory_space<any>>) target(%dma_start3A_90 : memref<1x100000xf32, #tpu.memory_space<vmem>>) target_semaphore(%arg10 : memref<!tpu.dma_semaphore, #tpu.memory_space<semaphore_mem>>)
        %dma_start3A_93 = arith.constant 4 : i32
        %dma_start3A_94 = arith.constant 0 : i32
        %dma_start3A_95 = tpu.memref_slice %arg9[%dma_start3A_93, %dma_start3A_94] : memref<8x100000xf32, #tpu.memory_space<vmem>> -> memref<1x100000xf32, #tpu.memory_space<vmem>>
        %dma_start3A_96 = arith.constant 0 : i32
        %dma_start3A_97 = tpu.memref_slice %arg4[%get3A_55, %dma_start3A_96] : memref<1024x100000xf32, #tpu.memory_space<any>> -> memref<1x100000xf32, #tpu.memory_space<any>>
        tpu.enqueue_dma source(%dma_start3A_97 : memref<1x100000xf32, #tpu.memory_space<any>>) target(%dma_start3A_95 : memref<1x100000xf32, #tpu.memory_space<vmem>>) target_semaphore(%arg10 : memref<!tpu.dma_semaphore, #tpu.memory_space<semaphore_mem>>)
        %dma_start3A_98 = arith.constant 5 : i32
        %dma_start3A_99 = arith.constant 0 : i32
        %dma_start3A_100 = tpu.memref_slice %arg9[%dma_start3A_98, %dma_start3A_99] : memref<8x100000xf32, #tpu.memory_space<vmem>> -> memref<1x100000xf32, #tpu.memory_space<vmem>>
        %dma_start3A_101 = arith.constant 0 : i32
        %dma_start3A_102 = tpu.memref_slice %arg4[%get3A_61, %dma_start3A_101] : memref<1024x100000xf32, #tpu.memory_space<any>> -> memref<1x100000xf32, #tpu.memory_space<any>>
        tpu.enqueue_dma source(%dma_start3A_102 : memref<1x100000xf32, #tpu.memory_space<any>>) target(%dma_start3A_100 : memref<1x100000xf32, #tpu.memory_space<vmem>>) target_semaphore(%arg10 : memref<!tpu.dma_semaphore, #tpu.memory_space<semaphore_mem>>)
        %dma_start3A_103 = arith.constant 6 : i32
        %dma_start3A_104 = arith.constant 0 : i32
        %dma_start3A_105 = tpu.memref_slice %arg9[%dma_start3A_103, %dma_start3A_104] : memref<8x100000xf32, #tpu.memory_space<vmem>> -> memref<1x100000xf32, #tpu.memory_space<vmem>>
        %dma_start3A_106 = arith.constant 0 : i32
        %dma_start3A_107 = tpu.memref_slice %arg4[%get3A_67, %dma_start3A_106] : memref<1024x100000xf32, #tpu.memory_space<any>> -> memref<1x100000xf32, #tpu.memory_space<any>>
        tpu.enqueue_dma source(%dma_start3A_107 : memref<1x100000xf32, #tpu.memory_space<any>>) target(%dma_start3A_105 : memref<1x100000xf32, #tpu.memory_space<vmem>>) target_semaphore(%arg10 : memref<!tpu.dma_semaphore, #tpu.memory_space<semaphore_mem>>)
        %dma_start3A_108 = arith.constant 7 : i32
        %dma_start3A_109 = arith.constant 0 : i32
        %dma_start3A_110 = tpu.memref_slice %arg9[%dma_start3A_108, %dma_start3A_109] : memref<8x100000xf32, #tpu.memory_space<vmem>> -> memref<1x100000xf32, #tpu.memory_space<vmem>>
        %dma_start3A_111 = arith.constant 0 : i32
        %dma_start3A_112 = tpu.memref_slice %arg4[%get3A_73, %dma_start3A_111] : memref<1024x100000xf32, #tpu.memory_space<any>> -> memref<1x100000xf32, #tpu.memory_space<any>>
        tpu.enqueue_dma source(%dma_start3A_112 : memref<1x100000xf32, #tpu.memory_space<any>>) target(%dma_start3A_110 : memref<1x100000xf32, #tpu.memory_space<vmem>>) target_semaphore(%arg10 : memref<!tpu.dma_semaphore, #tpu.memory_space<semaphore_mem>>)
        %dma_wait3A = arith.constant 0 : i32
        %dma_wait3A_113 = arith.constant 0 : i32
        %dma_wait3A_114 = tpu.memref_slice %arg9[%dma_wait3A, %dma_wait3A_113] : memref<8x100000xf32, #tpu.memory_space<vmem>> -> memref<1x100000xf32, #tpu.memory_space<vmem>>
        %dma_wait3A_115 = arith.constant 0 : i32
        %dma_wait3A_116 = tpu.memref_slice %arg4[%get3A_31, %dma_wait3A_115] : memref<1024x100000xf32, #tpu.memory_space<any>> -> memref<1x100000xf32, #tpu.memory_space<any>>
        tpu.wait_dma2 semaphore(%arg10 : memref<!tpu.dma_semaphore, #tpu.memory_space<semaphore_mem>>) src(%dma_wait3A_116 : memref<1x100000xf32, #tpu.memory_space<any>>) dst(%dma_wait3A_114 : memref<1x100000xf32, #tpu.memory_space<vmem>>)
        %dma_wait3A_117 = arith.constant 1 : i32
        %dma_wait3A_118 = arith.constant 0 : i32
        %dma_wait3A_119 = tpu.memref_slice %arg9[%dma_wait3A_117, %dma_wait3A_118] : memref<8x100000xf32, #tpu.memory_space<vmem>> -> memref<1x100000xf32, #tpu.memory_space<vmem>>
        %dma_wait3A_120 = arith.constant 0 : i32
        %dma_wait3A_121 = tpu.memref_slice %arg4[%get3A_37, %dma_wait3A_120] : memref<1024x100000xf32, #tpu.memory_space<any>> -> memref<1x100000xf32, #tpu.memory_space<any>>
        tpu.wait_dma2 semaphore(%arg10 : memref<!tpu.dma_semaphore, #tpu.memory_space<semaphore_mem>>) src(%dma_wait3A_121 : memref<1x100000xf32, #tpu.memory_space<any>>) dst(%dma_wait3A_119 : memref<1x100000xf32, #tpu.memory_space<vmem>>)
        %dma_wait3A_122 = arith.constant 2 : i32
        %dma_wait3A_123 = arith.constant 0 : i32
        %dma_wait3A_124 = tpu.memref_slice %arg9[%dma_wait3A_122, %dma_wait3A_123] : memref<8x100000xf32, #tpu.memory_space<vmem>> -> memref<1x100000xf32, #tpu.memory_space<vmem>>
        %dma_wait3A_125 = arith.constant 0 : i32
        %dma_wait3A_126 = tpu.memref_slice %arg4[%get3A_43, %dma_wait3A_125] : memref<1024x100000xf32, #tpu.memory_space<any>> -> memref<1x100000xf32, #tpu.memory_space<any>>
        tpu.wait_dma2 semaphore(%arg10 : memref<!tpu.dma_semaphore, #tpu.memory_space<semaphore_mem>>) src(%dma_wait3A_126 : memref<1x100000xf32, #tpu.memory_space<any>>) dst(%dma_wait3A_124 : memref<1x100000xf32, #tpu.memory_space<vmem>>)
        %dma_wait3A_127 = arith.constant 3 : i32
        %dma_wait3A_128 = arith.constant 0 : i32
        %dma_wait3A_129 = tpu.memref_slice %arg9[%dma_wait3A_127, %dma_wait3A_128] : memref<8x100000xf32, #tpu.memory_space<vmem>> -> memref<1x100000xf32, #tpu.memory_space<vmem>>
        %dma_wait3A_130 = arith.constant 0 : i32
        %dma_wait3A_131 = tpu.memref_slice %arg4[%get3A_49, %dma_wait3A_130] : memref<1024x100000xf32, #tpu.memory_space<any>> -> memref<1x100000xf32, #tpu.memory_space<any>>
        tpu.wait_dma2 semaphore(%arg10 : memref<!tpu.dma_semaphore, #tpu.memory_space<semaphore_mem>>) src(%dma_wait3A_131 : memref<1x100000xf32, #tpu.memory_space<any>>) dst(%dma_wait3A_129 : memref<1x100000xf32, #tpu.memory_space<vmem>>)
        %dma_wait3A_132 = arith.constant 4 : i32
        %dma_wait3A_133 = arith.constant 0 : i32
        %dma_wait3A_134 = tpu.memref_slice %arg9[%dma_wait3A_132, %dma_wait3A_133] : memref<8x100000xf32, #tpu.memory_space<vmem>> -> memref<1x100000xf32, #tpu.memory_space<vmem>>
        %dma_wait3A_135 = arith.constant 0 : i32
        %dma_wait3A_136 = tpu.memref_slice %arg4[%get3A_55, %dma_wait3A_135] : memref<1024x100000xf32, #tpu.memory_space<any>> -> memref<1x100000xf32, #tpu.memory_space<any>>
        tpu.wait_dma2 semaphore(%arg10 : memref<!tpu.dma_semaphore, #tpu.memory_space<semaphore_mem>>) src(%dma_wait3A_136 : memref<1x100000xf32, #tpu.memory_space<any>>) dst(%dma_wait3A_134 : memref<1x100000xf32, #tpu.memory_space<vmem>>)
        %dma_wait3A_137 = arith.constant 5 : i32
        %dma_wait3A_138 = arith.constant 0 : i32
        %dma_wait3A_139 = tpu.memref_slice %arg9[%dma_wait3A_137, %dma_wait3A_138] : memref<8x100000xf32, #tpu.memory_space<vmem>> -> memref<1x100000xf32, #tpu.memory_space<vmem>>
        %dma_wait3A_140 = arith.constant 0 : i32
        %dma_wait3A_141 = tpu.memref_slice %arg4[%get3A_61, %dma_wait3A_140] : memref<1024x100000xf32, #tpu.memory_space<any>> -> memref<1x100000xf32, #tpu.memory_space<any>>
        tpu.wait_dma2 semaphore(%arg10 : memref<!tpu.dma_semaphore, #tpu.memory_space<semaphore_mem>>) src(%dma_wait3A_141 : memref<1x100000xf32, #tpu.memory_space<any>>) dst(%dma_wait3A_139 : memref<1x100000xf32, #tpu.memory_space<vmem>>)
        %dma_wait3A_142 = arith.constant 6 : i32
        %dma_wait3A_143 = arith.constant 0 : i32
        %dma_wait3A_144 = tpu.memref_slice %arg9[%dma_wait3A_142, %dma_wait3A_143] : memref<8x100000xf32, #tpu.memory_space<vmem>> -> memref<1x100000xf32, #tpu.memory_space<vmem>>
        %dma_wait3A_145 = arith.constant 0 : i32
        %dma_wait3A_146 = tpu.memref_slice %arg4[%get3A_67, %dma_wait3A_145] : memref<1024x100000xf32, #tpu.memory_space<any>> -> memref<1x100000xf32, #tpu.memory_space<any>>
        tpu.wait_dma2 semaphore(%arg10 : memref<!tpu.dma_semaphore, #tpu.memory_space<semaphore_mem>>) src(%dma_wait3A_146 : memref<1x100000xf32, #tpu.memory_space<any>>) dst(%dma_wait3A_144 : memref<1x100000xf32, #tpu.memory_space<vmem>>)
        %dma_wait3A_147 = arith.constant 7 : i32
        %dma_wait3A_148 = arith.constant 0 : i32
        %dma_wait3A_149 = tpu.memref_slice %arg9[%dma_wait3A_147, %dma_wait3A_148] : memref<8x100000xf32, #tpu.memory_space<vmem>> -> memref<1x100000xf32, #tpu.memory_space<vmem>>
        %dma_wait3A_150 = arith.constant 0 : i32
        %dma_wait3A_151 = tpu.memref_slice %arg4[%get3A_73, %dma_wait3A_150] : memref<1024x100000xf32, #tpu.memory_space<any>> -> memref<1x100000xf32, #tpu.memory_space<any>>
        tpu.wait_dma2 semaphore(%arg10 : memref<!tpu.dma_semaphore, #tpu.memory_space<semaphore_mem>>) src(%dma_wait3A_151 : memref<1x100000xf32, #tpu.memory_space<any>>) dst(%dma_wait3A_149 : memref<1x100000xf32, #tpu.memory_space<vmem>>)
        %get3A_152 = arith.constant 0 : index
        %get3A_153 = arith.constant 0 : index
        %get3A_154 = vector.load %arg9[%get3A_152, %get3A_153] : memref<8x100000xf32, #tpu.memory_space<vmem>>, vector<8x100000xf32>
        %iota3A = tpu.iota {dimensions = array<i32: 1>} : vector<8x100000xi32>
        %gt3A = arith.constant 0.000000e+00 : f32
        %gt3A_155 = vector.broadcast %gt3A : f32 to vector<8x100000xf32>
        %gt3A_156 = arith.cmpf ogt, %get3A_154, %gt3A_155 : vector<8x100000xf32>
        %jit3A = arith.constant 1.000000e+00 : f32
        %broadcast_in_dim3A = vector.broadcast %jit3A : f32 to vector<8x100000xf32>
        %select_n3A = arith.select %gt3A_156, %get3A_154, %broadcast_in_dim3A : vector<8x100000xi1>, vector<8x100000xf32>
        %gt3A_157 = arith.constant 0.000000e+00 : f32
        %gt3A_158 = vector.broadcast %gt3A_157 : f32 to vector<8x100000xf32>
        %gt3A_159 = arith.cmpf ogt, %get3A_154, %gt3A_158 : vector<8x100000xf32>
        %neg3A = arith.constant 0.000000e+00 : f32
        %neg3A_160 = vector.broadcast %neg3A : f32 to vector<8x100000xf32>
        %neg3A_161 = arith.subf %neg3A_160, %get3A_154 : vector<8x100000xf32>
        %log3A = math.log %select_n3A : vector<8x100000xf32>
        %mul3A_162 = arith.mulf %neg3A_161, %log3A : vector<8x100000xf32>
        %jit3A_163 = arith.constant 0.000000e+00 : f32
        %broadcast_in_dim3A_164 = vector.broadcast %jit3A_163 : f32 to vector<8x100000xf32>
        %select_n3A_165 = arith.select %gt3A_159, %mul3A_162, %broadcast_in_dim3A_164 : vector<8x100000xi1>, vector<8x100000xf32>
        %reduce_sum3A = arith.constant dense<0.000000e+00> : vector<8xf32>
        %reduce_sum3A_166 = vector.multi_reduction <add>, %select_n3A_165, %reduce_sum3A [1] : vector<8x100000xf32> to vector<8xf32>
        %eq3A = arith.constant 0 : i32
        %eq3A_167 = vector.broadcast %eq3A : i32 to vector<8x100000xi32>
        %eq3A_168 = arith.cmpi eq, %iota3A, %eq3A_167 : vector<8x100000xi32>
        %jit3A_169 = arith.constant -1.000000e+00 : f32
        %broadcast_in_dim3A_170 = vector.broadcast %jit3A_169 : f32 to vector<8x100000xf32>
        %select_n3A_171 = arith.select %eq3A_168, %broadcast_in_dim3A_170, %get3A_154 : vector<8x100000xi1>, vector<8x100000xf32>
        %reduce_max3A = arith.constant dense<0xFF800000> : vector<8xf32>
        %reduce_max3A_172 = vector.multi_reduction <maximumf>, %select_n3A_171, %reduce_max3A [1] : vector<8x100000xf32> to vector<8xf32>
        %broadcast_in_dim3A_173 = vector.shape_cast %reduce_max3A_172 : vector<8xf32> to vector<8x1xf32>
        %eq3A_174 = vector.broadcast %broadcast_in_dim3A_173 : vector<8x1xf32> to vector<8x100000xf32>
        %eq3A_175 = arith.cmpf oeq, %select_n3A_171, %eq3A_174 : vector<8x100000xf32>
        %jit3A_176 = arith.constant 100000 : i32
        %broadcast_in_dim3A_177 = vector.broadcast %jit3A_176 : i32 to vector<8x100000xi32>
        %select_n3A_178 = arith.select %eq3A_175, %iota3A, %broadcast_in_dim3A_177 : vector<8x100000xi1>, vector<8x100000xi32>
        %reduce_min3A = arith.constant dense<2147483647> : vector<8xi32>
        %reduce_min3A_179 = vector.multi_reduction <minsi>, %select_n3A_178, %reduce_min3A [1] : vector<8x100000xi32> to vector<8xi32>
        %broadcast_in_dim3A_180 = vector.shape_cast %reduce_min3A_179 : vector<8xi32> to vector<8x1xi32>
        %eq3A_181 = vector.broadcast %broadcast_in_dim3A_180 : vector<8x1xi32> to vector<8x100000xi32>
        %eq3A_182 = arith.cmpi eq, %iota3A, %eq3A_181 : vector<8x100000xi32>
        %jit3A_183 = arith.constant -1.000000e+00 : f32
        %broadcast_in_dim3A_184 = vector.broadcast %jit3A_183 : f32 to vector<8x100000xf32>
        %select_n3A_185 = arith.select %eq3A_182, %broadcast_in_dim3A_184, %select_n3A_171 : vector<8x100000xi1>, vector<8x100000xf32>
        %reduce_max3A_186 = arith.constant dense<0xFF800000> : vector<8xf32>
        %reduce_max3A_187 = vector.multi_reduction <maximumf>, %select_n3A_185, %reduce_max3A_186 [1] : vector<8x100000xf32> to vector<8xf32>
        %broadcast_in_dim3A_188 = vector.shape_cast %reduce_max3A_187 : vector<8xf32> to vector<8x1xf32>
        %eq3A_189 = vector.broadcast %broadcast_in_dim3A_188 : vector<8x1xf32> to vector<8x100000xf32>
        %eq3A_190 = arith.cmpf oeq, %select_n3A_185, %eq3A_189 : vector<8x100000xf32>
        %jit3A_191 = arith.constant 100000 : i32
        %broadcast_in_dim3A_192 = vector.broadcast %jit3A_191 : i32 to vector<8x100000xi32>
        %select_n3A_193 = arith.select %eq3A_190, %iota3A, %broadcast_in_dim3A_192 : vector<8x100000xi1>, vector<8x100000xi32>
        %reduce_min3A_194 = arith.constant dense<2147483647> : vector<8xi32>
        %reduce_min3A_195 = vector.multi_reduction <minsi>, %select_n3A_193, %reduce_min3A_194 [1] : vector<8x100000xi32> to vector<8xi32>
        %broadcast_in_dim3A_196 = vector.shape_cast %reduce_min3A_195 : vector<8xi32> to vector<8x1xi32>
        %eq3A_197 = vector.broadcast %broadcast_in_dim3A_196 : vector<8x1xi32> to vector<8x100000xi32>
        %eq3A_198 = arith.cmpi eq, %iota3A, %eq3A_197 : vector<8x100000xi32>
        %jit3A_199 = arith.constant -1.000000e+00 : f32
        %broadcast_in_dim3A_200 = vector.broadcast %jit3A_199 : f32 to vector<8x100000xf32>
        %select_n3A_201 = arith.select %eq3A_198, %broadcast_in_dim3A_200, %select_n3A_185 : vector<8x100000xi1>, vector<8x100000xf32>
        %reduce_max3A_202 = arith.constant dense<0xFF800000> : vector<8xf32>
        %reduce_max3A_203 = vector.multi_reduction <maximumf>, %select_n3A_201, %reduce_max3A_202 [1] : vector<8x100000xf32> to vector<8xf32>
        %broadcast_in_dim3A_204 = vector.shape_cast %reduce_max3A_203 : vector<8xf32> to vector<8x1xf32>
        %eq3A_205 = vector.broadcast %broadcast_in_dim3A_204 : vector<8x1xf32> to vector<8x100000xf32>
        %eq3A_206 = arith.cmpf oeq, %select_n3A_201, %eq3A_205 : vector<8x100000xf32>
        %jit3A_207 = arith.constant 100000 : i32
        %broadcast_in_dim3A_208 = vector.broadcast %jit3A_207 : i32 to vector<8x100000xi32>
        %select_n3A_209 = arith.select %eq3A_206, %iota3A, %broadcast_in_dim3A_208 : vector<8x100000xi1>, vector<8x100000xi32>
        %reduce_min3A_210 = arith.constant dense<2147483647> : vector<8xi32>
        %reduce_min3A_211 = vector.multi_reduction <minsi>, %select_n3A_209, %reduce_min3A_210 [1] : vector<8x100000xi32> to vector<8xi32>
        %broadcast_in_dim3A_212 = vector.shape_cast %reduce_min3A_211 : vector<8xi32> to vector<8x1xi32>
        %eq3A_213 = vector.broadcast %broadcast_in_dim3A_212 : vector<8x1xi32> to vector<8x100000xi32>
        %eq3A_214 = arith.cmpi eq, %iota3A, %eq3A_213 : vector<8x100000xi32>
        %jit3A_215 = arith.constant -1.000000e+00 : f32
        %broadcast_in_dim3A_216 = vector.broadcast %jit3A_215 : f32 to vector<8x100000xf32>
        %select_n3A_217 = arith.select %eq3A_214, %broadcast_in_dim3A_216, %select_n3A_201 : vector<8x100000xi1>, vector<8x100000xf32>
        %reduce_max3A_218 = arith.constant dense<0xFF800000> : vector<8xf32>
        %reduce_max3A_219 = vector.multi_reduction <maximumf>, %select_n3A_217, %reduce_max3A_218 [1] : vector<8x100000xf32> to vector<8xf32>
        %broadcast_in_dim3A_220 = vector.shape_cast %reduce_max3A_219 : vector<8xf32> to vector<8x1xf32>
        %eq3A_221 = vector.broadcast %broadcast_in_dim3A_220 : vector<8x1xf32> to vector<8x100000xf32>
        %eq3A_222 = arith.cmpf oeq, %select_n3A_217, %eq3A_221 : vector<8x100000xf32>
        %jit3A_223 = arith.constant 100000 : i32
        %broadcast_in_dim3A_224 = vector.broadcast %jit3A_223 : i32 to vector<8x100000xi32>
        %select_n3A_225 = arith.select %eq3A_222, %iota3A, %broadcast_in_dim3A_224 : vector<8x100000xi1>, vector<8x100000xi32>
        %reduce_min3A_226 = arith.constant dense<2147483647> : vector<8xi32>
        %reduce_min3A_227 = vector.multi_reduction <minsi>, %select_n3A_225, %reduce_min3A_226 [1] : vector<8x100000xi32> to vector<8xi32>
        %broadcast_in_dim3A_228 = vector.shape_cast %reduce_min3A_227 : vector<8xi32> to vector<8x1xi32>
        %eq3A_229 = vector.broadcast %broadcast_in_dim3A_228 : vector<8x1xi32> to vector<8x100000xi32>
        %eq3A_230 = arith.cmpi eq, %iota3A, %eq3A_229 : vector<8x100000xi32>
        %jit3A_231 = arith.constant -1.000000e+00 : f32
        %broadcast_in_dim3A_232 = vector.broadcast %jit3A_231 : f32 to vector<8x100000xf32>
        %select_n3A_233 = arith.select %eq3A_230, %broadcast_in_dim3A_232, %select_n3A_217 : vector<8x100000xi1>, vector<8x100000xf32>
        %reduce_max3A_234 = arith.constant dense<0xFF800000> : vector<8xf32>
        %reduce_max3A_235 = vector.multi_reduction <maximumf>, %select_n3A_233, %reduce_max3A_234 [1] : vector<8x100000xf32> to vector<8xf32>
        %broadcast_in_dim3A_236 = vector.shape_cast %reduce_max3A_235 : vector<8xf32> to vector<8x1xf32>
        %eq3A_237 = vector.broadcast %broadcast_in_dim3A_236 : vector<8x1xf32> to vector<8x100000xf32>
        %eq3A_238 = arith.cmpf oeq, %select_n3A_233, %eq3A_237 : vector<8x100000xf32>
        %jit3A_239 = arith.constant 100000 : i32
        %broadcast_in_dim3A_240 = vector.broadcast %jit3A_239 : i32 to vector<8x100000xi32>
        %select_n3A_241 = arith.select %eq3A_238, %iota3A, %broadcast_in_dim3A_240 : vector<8x100000xi1>, vector<8x100000xi32>
        %reduce_min3A_242 = arith.constant dense<2147483647> : vector<8xi32>
        %reduce_min3A_243 = vector.multi_reduction <minsi>, %select_n3A_241, %reduce_min3A_242 [1] : vector<8x100000xi32> to vector<8xi32>
        %broadcast_in_dim3A_244 = vector.shape_cast %reduce_min3A_243 : vector<8xi32> to vector<8x1xi32>
        %eq3A_245 = vector.broadcast %broadcast_in_dim3A_244 : vector<8x1xi32> to vector<8x100000xi32>
        %eq3A_246 = arith.cmpi eq, %iota3A, %eq3A_245 : vector<8x100000xi32>
        %jit3A_247 = arith.constant -1.000000e+00 : f32
        %broadcast_in_dim3A_248 = vector.broadcast %jit3A_247 : f32 to vector<8x100000xf32>
        %select_n3A_249 = arith.select %eq3A_246, %broadcast_in_dim3A_248, %select_n3A_233 : vector<8x100000xi1>, vector<8x100000xf32>
        %reduce_max3A_250 = arith.constant dense<0xFF800000> : vector<8xf32>
        %reduce_max3A_251 = vector.multi_reduction <maximumf>, %select_n3A_249, %reduce_max3A_250 [1] : vector<8x100000xf32> to vector<8xf32>
        %broadcast_in_dim3A_252 = vector.shape_cast %reduce_max3A_251 : vector<8xf32> to vector<8x1xf32>
        %eq3A_253 = vector.broadcast %broadcast_in_dim3A_252 : vector<8x1xf32> to vector<8x100000xf32>
        %eq3A_254 = arith.cmpf oeq, %select_n3A_249, %eq3A_253 : vector<8x100000xf32>
        %jit3A_255 = arith.constant 100000 : i32
        %broadcast_in_dim3A_256 = vector.broadcast %jit3A_255 : i32 to vector<8x100000xi32>
        %select_n3A_257 = arith.select %eq3A_254, %iota3A, %broadcast_in_dim3A_256 : vector<8x100000xi1>, vector<8x100000xi32>
        %reduce_min3A_258 = arith.constant dense<2147483647> : vector<8xi32>
        %reduce_min3A_259 = vector.multi_reduction <minsi>, %select_n3A_257, %reduce_min3A_258 [1] : vector<8x100000xi32> to vector<8xi32>
        %broadcast_in_dim3A_260 = vector.shape_cast %reduce_min3A_259 : vector<8xi32> to vector<8x1xi32>
        %eq3A_261 = vector.broadcast %broadcast_in_dim3A_260 : vector<8x1xi32> to vector<8x100000xi32>
        %eq3A_262 = arith.cmpi eq, %iota3A, %eq3A_261 : vector<8x100000xi32>
        %jit3A_263 = arith.constant -1.000000e+00 : f32
        %broadcast_in_dim3A_264 = vector.broadcast %jit3A_263 : f32 to vector<8x100000xf32>
        %select_n3A_265 = arith.select %eq3A_262, %broadcast_in_dim3A_264, %select_n3A_249 : vector<8x100000xi1>, vector<8x100000xf32>
        %reduce_max3A_266 = arith.constant dense<0xFF800000> : vector<8xf32>
        %reduce_max3A_267 = vector.multi_reduction <maximumf>, %select_n3A_265, %reduce_max3A_266 [1] : vector<8x100000xf32> to vector<8xf32>
        %broadcast_in_dim3A_268 = vector.shape_cast %reduce_max3A_267 : vector<8xf32> to vector<8x1xf32>
        %eq3A_269 = vector.broadcast %broadcast_in_dim3A_268 : vector<8x1xf32> to vector<8x100000xf32>
        %eq3A_270 = arith.cmpf oeq, %select_n3A_265, %eq3A_269 : vector<8x100000xf32>
        %jit3A_271 = arith.constant 100000 : i32
        %broadcast_in_dim3A_272 = vector.broadcast %jit3A_271 : i32 to vector<8x100000xi32>
        %select_n3A_273 = arith.select %eq3A_270, %iota3A, %broadcast_in_dim3A_272 : vector<8x100000xi1>, vector<8x100000xi32>
        %reduce_min3A_274 = arith.constant dense<2147483647> : vector<8xi32>
        %reduce_min3A_275 = vector.multi_reduction <minsi>, %select_n3A_273, %reduce_min3A_274 [1] : vector<8x100000xi32> to vector<8xi32>
        %broadcast_in_dim3A_276 = vector.shape_cast %reduce_min3A_275 : vector<8xi32> to vector<8x1xi32>
        %eq3A_277 = vector.broadcast %broadcast_in_dim3A_276 : vector<8x1xi32> to vector<8x100000xi32>
        %eq3A_278 = arith.cmpi eq, %iota3A, %eq3A_277 : vector<8x100000xi32>
        %jit3A_279 = arith.constant -1.000000e+00 : f32
        %broadcast_in_dim3A_280 = vector.broadcast %jit3A_279 : f32 to vector<8x100000xf32>
        %select_n3A_281 = arith.select %eq3A_278, %broadcast_in_dim3A_280, %select_n3A_265 : vector<8x100000xi1>, vector<8x100000xf32>
        %reduce_max3A_282 = arith.constant dense<0xFF800000> : vector<8xf32>
        %reduce_max3A_283 = vector.multi_reduction <maximumf>, %select_n3A_281, %reduce_max3A_282 [1] : vector<8x100000xf32> to vector<8xf32>
        %broadcast_in_dim3A_284 = vector.shape_cast %reduce_max3A_283 : vector<8xf32> to vector<8x1xf32>
        %eq3A_285 = vector.broadcast %broadcast_in_dim3A_284 : vector<8x1xf32> to vector<8x100000xf32>
        %eq3A_286 = arith.cmpf oeq, %select_n3A_281, %eq3A_285 : vector<8x100000xf32>
        %jit3A_287 = arith.constant 100000 : i32
        %broadcast_in_dim3A_288 = vector.broadcast %jit3A_287 : i32 to vector<8x100000xi32>
        %select_n3A_289 = arith.select %eq3A_286, %iota3A, %broadcast_in_dim3A_288 : vector<8x100000xi1>, vector<8x100000xi32>
        %reduce_min3A_290 = arith.constant dense<2147483647> : vector<8xi32>
        %reduce_min3A_291 = vector.multi_reduction <minsi>, %select_n3A_289, %reduce_min3A_290 [1] : vector<8x100000xi32> to vector<8xi32>
        %stack3A = vector.shape_cast %reduce_max3A_172 : vector<8xf32> to vector<8x1xf32>
        %stack3A_292 = vector.shape_cast %reduce_max3A_187 : vector<8xf32> to vector<8x1xf32>
        %stack3A_293 = vector.shape_cast %reduce_max3A_203 : vector<8xf32> to vector<8x1xf32>
        %stack3A_294 = vector.shape_cast %reduce_max3A_219 : vector<8xf32> to vector<8x1xf32>
        %stack3A_295 = vector.shape_cast %reduce_max3A_235 : vector<8xf32> to vector<8x1xf32>
        %stack3A_296 = vector.shape_cast %reduce_max3A_251 : vector<8xf32> to vector<8x1xf32>
        %stack3A_297 = vector.shape_cast %reduce_max3A_267 : vector<8xf32> to vector<8x1xf32>
        %stack3A_298 = vector.shape_cast %reduce_max3A_283 : vector<8xf32> to vector<8x1xf32>
        %stack3A_299 = tpu.concatenate %stack3A, %stack3A_292, %stack3A_293, %stack3A_294, %stack3A_295, %stack3A_296, %stack3A_297, %stack3A_298 in 1 : vector<8x1xf32>, vector<8x1xf32>, vector<8x1xf32>, vector<8x1xf32>, vector<8x1xf32>, vector<8x1xf32>, vector<8x1xf32>, vector<8x1xf32> -> vector<8x8xf32>
        %stack3A_300 = vector.shape_cast %reduce_min3A_179 : vector<8xi32> to vector<8x1xi32>
        %stack3A_301 = vector.shape_cast %reduce_min3A_195 : vector<8xi32> to vector<8x1xi32>
        %stack3A_302 = vector.shape_cast %reduce_min3A_211 : vector<8xi32> to vector<8x1xi32>
        %stack3A_303 = vector.shape_cast %reduce_min3A_227 : vector<8xi32> to vector<8x1xi32>
        %stack3A_304 = vector.shape_cast %reduce_min3A_243 : vector<8xi32> to vector<8x1xi32>
        %stack3A_305 = vector.shape_cast %reduce_min3A_259 : vector<8xi32> to vector<8x1xi32>
        %stack3A_306 = vector.shape_cast %reduce_min3A_275 : vector<8xi32> to vector<8x1xi32>
        %stack3A_307 = vector.shape_cast %reduce_min3A_291 : vector<8xi32> to vector<8x1xi32>
        %stack3A_308 = tpu.concatenate %stack3A_300, %stack3A_301, %stack3A_302, %stack3A_303, %stack3A_304, %stack3A_305, %stack3A_306, %stack3A_307 in 1 : vector<8x1xi32>, vector<8x1xi32>, vector<8x1xi32>, vector<8x1xi32>, vector<8x1xi32>, vector<8x1xi32>, vector<8x1xi32>, vector<8x1xi32> -> vector<8x8xi32>
        %reduce_sum3A_309 = arith.constant dense<0.000000e+00> : vector<8xf32>
        %reduce_sum3A_310 = vector.multi_reduction <add>, %stack3A_299, %reduce_sum3A_309 [1] : vector<8x8xf32> to vector<8xf32>
        %broadcast_in_dim3A_311 = vector.shape_cast %reduce_sum3A_310 : vector<8xf32> to vector<8x1xf32>
        %add3A_312 = arith.constant 1.000000e-10 : f32
        %add3A_313 = vector.broadcast %add3A_312 : f32 to vector<8x1xf32>
        %add3A_314 = arith.addf %broadcast_in_dim3A_311, %add3A_313 : vector<8x1xf32>
        %div3A = vector.broadcast %add3A_314 : vector<8x1xf32> to vector<8x8xf32>
        %div3A_315 = arith.divf %stack3A_299, %div3A : vector<8x8xf32>
        %sub3A = vector.broadcast %get3A_6 : f32 to vector<8xf32>
        %sub3A_316 = arith.subf %sub3A, %reduce_sum3A_166 : vector<8xf32>
        %mul3A_317 = vector.broadcast %get3A_4 : f32 to vector<8xf32>
        %mul3A_318 = arith.mulf %mul3A_317, %sub3A_316 : vector<8xf32>
        %logistic3A = arith.negf %mul3A_318 : vector<8xf32>
        %logistic3A_319 = math.exp %logistic3A : vector<8xf32>
        %logistic3A_320 = arith.constant 1.000000e+00 : f32
        %logistic3A_321 = vector.broadcast %logistic3A_320 : f32 to vector<8xf32>
        %logistic3A_322 = arith.addf %logistic3A_321, %logistic3A_319 : vector<8xf32>
        %logistic3A_323 = arith.divf %logistic3A_321, %logistic3A_322 : vector<8xf32>
        %mul3A_324 = vector.broadcast %get3A_2 : f32 to vector<8xf32>
        %mul3A_325 = arith.mulf %mul3A_324, %logistic3A_323 : vector<8xf32>
        %sub3A_326 = arith.constant 1.000000e+00 : f32
        %sub3A_327 = vector.broadcast %sub3A_326 : f32 to vector<8xf32>
        %sub3A_328 = arith.subf %sub3A_327, %mul3A_325 : vector<8xf32>
        %broadcast_in_dim3A_329 = vector.shape_cast %sub3A_328 : vector<8xf32> to vector<8x1xf32>
        %broadcast_in_dim3A_330 = arith.constant 0.000000e+00 : f32
        %broadcast_in_dim3A_331 = vector.broadcast %broadcast_in_dim3A_330 : f32 to vector<8x1xf32>
        %broadcast_in_dim3A_332 = vector.shape_cast %mul3A_325 : vector<8xf32> to vector<8x1xf32>
        %mul3A_333 = vector.broadcast %broadcast_in_dim3A_332 : vector<8x1xf32> to vector<8x8xf32>
        %mul3A_334 = arith.mulf %mul3A_333, %div3A_315 : vector<8x8xf32>
        %concatenate3A = tpu.concatenate %broadcast_in_dim3A_329, %broadcast_in_dim3A_331, %mul3A_334 in 1 : vector<8x1xf32>, vector<8x1xf32>, vector<8x8xf32> -> vector<8x10xf32>
        %broadcast_in_dim3A_335 = vector.shape_cast %concatenate3A : vector<8x10xf32> to vector<8x10x1xf32>
        %broadcast_in_dim3A_336 = vector.shape_cast %broadcast_in_dim3A_335 : vector<8x10x1xf32> to vector<8x10x1xf32>
        %broadcast_in_dim3A_337 = vector.broadcast %broadcast_in_dim3A_336 : vector<8x10x1xf32> to vector<8x10x16xf32>
        %stack3A_338 = vector.broadcast %get3A_31 : i32 to vector<1xi32>
        %stack3A_339 = vector.broadcast %get3A_37 : i32 to vector<1xi32>
        %stack3A_340 = vector.broadcast %get3A_43 : i32 to vector<1xi32>
        %stack3A_341 = vector.broadcast %get3A_49 : i32 to vector<1xi32>
        %stack3A_342 = vector.broadcast %get3A_55 : i32 to vector<1xi32>
        %stack3A_343 = vector.broadcast %get3A_61 : i32 to vector<1xi32>
        %stack3A_344 = vector.broadcast %get3A_67 : i32 to vector<1xi32>
        %stack3A_345 = vector.broadcast %get3A_73 : i32 to vector<1xi32>
        %stack3A_346 = tpu.concatenate %stack3A_338, %stack3A_339, %stack3A_340, %stack3A_341, %stack3A_342, %stack3A_343, %stack3A_344, %stack3A_345 in 0 : vector<1xi32>, vector<1xi32>, vector<1xi32>, vector<1xi32>, vector<1xi32>, vector<1xi32>, vector<1xi32>, vector<1xi32> -> vector<8xi32>
        %broadcast_in_dim3A_347 = vector.shape_cast %stack3A_346 : vector<8xi32> to vector<8x1xi32>
        %concatenate3A_348 = tpu.concatenate %broadcast_in_dim3A_347, %stack3A_308 in 1 : vector<8x1xi32>, vector<8x8xi32> -> vector<8x9xi32>
        %mul3A_349 = arith.constant 8 : i32
        %mul3A_350 = arith.muli %scan3A_24, %mul3A_349 : i32
        %add3A_351 = arith.constant 0 : i32
        %add3A_352 = arith.addi %mul3A_350, %add3A_351 : i32
        %lt3A_353 = arith.cmpi slt, %add3A_352, %get3A_0 : i32
        %convert_element_type3A_354 = arith.extui %lt3A_353 : i1 to i32
        %cond3A_355 = arith.constant 0 : i32
        %cond3A_356 = arith.cmpi ne, %convert_element_type3A_354, %cond3A_355 : i32
        scf.if %cond3A_356 {
          %slice3A = vector.extract_strided_slice %concatenate3A_348 {offsets = [0, 0], sizes = [1, 9], strides = [1, 1]} : vector<8x9xi32> to vector<1x9xi32>
          %squeeze3A = vector.shape_cast %slice3A : vector<1x9xi32> to vector<9xi32>
          %broadcast_in_dim3A_413 = vector.shape_cast %squeeze3A : vector<9xi32> to vector<1x9xi32>
          %swap3A_414 = arith.index_cast %get3A_31 : i32 to index
          %swap3A_415 = arith.constant 0 : index
          %swap3A_416 = vector.load %arg7[%swap3A_414, %swap3A_415] : memref<1024x9xi32, #tpu.memory_space<vmem>>, vector<1x9xi32>
          tpu.vector_store %arg7[%swap3A_414, %swap3A_415], %broadcast_in_dim3A_413 {strides = array<i32>} : memref<1024x9xi32, #tpu.memory_space<vmem>>, vector<1x9xi32>,
          %slice3A_417 = vector.extract_strided_slice %broadcast_in_dim3A_337 {offsets = [0, 0, 0], sizes = [1, 10, 16], strides = [1, 1, 1]} : vector<8x10x16xf32> to vector<1x10x16xf32>
          %squeeze3A_418 = vector.shape_cast %slice3A_417 : vector<1x10x16xf32> to vector<10x16xf32>
          %broadcast_in_dim3A_419 = vector.shape_cast %squeeze3A_418 : vector<10x16xf32> to vector<1x10x16xf32>
          %swap3A_420 = arith.index_cast %get3A_31 : i32 to index
          %swap3A_421 = arith.constant 0 : index
          %swap3A_422 = arith.constant 0 : index
          %swap3A_423 = vector.load %arg8[%swap3A_420, %swap3A_421, %swap3A_422] : memref<1024x10x16xf32, #tpu.memory_space<vmem>>, vector<1x10x16xf32>
          tpu.vector_store %arg8[%swap3A_420, %swap3A_421, %swap3A_422], %broadcast_in_dim3A_419 {strides = array<i32>} : memref<1024x10x16xf32, #tpu.memory_space<vmem>>, vector<1x10x16xf32>,
        } else {
        }
        %mul3A_357 = arith.constant 8 : i32
        %mul3A_358 = arith.muli %scan3A_24, %mul3A_357 : i32
        %add3A_359 = arith.constant 1 : i32
        %add3A_360 = arith.addi %mul3A_358, %add3A_359 : i32
        %lt3A_361 = arith.cmpi slt, %add3A_360, %get3A_0 : i32
        %convert_element_type3A_362 = arith.extui %lt3A_361 : i1 to i32
        %cond3A_363 = arith.constant 0 : i32
        %cond3A_364 = arith.cmpi ne, %convert_element_type3A_362, %cond3A_363 : i32
        scf.if %cond3A_364 {
          %slice3A = vector.extract_strided_slice %concatenate3A_348 {offsets = [1, 0], sizes = [1, 9], strides = [1, 1]} : vector<8x9xi32> to vector<1x9xi32>
          %squeeze3A = vector.shape_cast %slice3A : vector<1x9xi32> to vector<9xi32>
          %broadcast_in_dim3A_413 = vector.shape_cast %squeeze3A : vector<9xi32> to vector<1x9xi32>
          %swap3A_414 = arith.index_cast %get3A_37 : i32 to index
          %swap3A_415 = arith.constant 0 : index
          %swap3A_416 = vector.load %arg7[%swap3A_414, %swap3A_415] : memref<1024x9xi32, #tpu.memory_space<vmem>>, vector<1x9xi32>
          tpu.vector_store %arg7[%swap3A_414, %swap3A_415], %broadcast_in_dim3A_413 {strides = array<i32>} : memref<1024x9xi32, #tpu.memory_space<vmem>>, vector<1x9xi32>,
          %slice3A_417 = vector.extract_strided_slice %broadcast_in_dim3A_337 {offsets = [1, 0, 0], sizes = [1, 10, 16], strides = [1, 1, 1]} : vector<8x10x16xf32> to vector<1x10x16xf32>
          %squeeze3A_418 = vector.shape_cast %slice3A_417 : vector<1x10x16xf32> to vector<10x16xf32>
          %broadcast_in_dim3A_419 = vector.shape_cast %squeeze3A_418 : vector<10x16xf32> to vector<1x10x16xf32>
          %swap3A_420 = arith.index_cast %get3A_37 : i32 to index
          %swap3A_421 = arith.constant 0 : index
          %swap3A_422 = arith.constant 0 : index
          %swap3A_423 = vector.load %arg8[%swap3A_420, %swap3A_421, %swap3A_422] : memref<1024x10x16xf32, #tpu.memory_space<vmem>>, vector<1x10x16xf32>
          tpu.vector_store %arg8[%swap3A_420, %swap3A_421, %swap3A_422], %broadcast_in_dim3A_419 {strides = array<i32>} : memref<1024x10x16xf32, #tpu.memory_space<vmem>>, vector<1x10x16xf32>,
        } else {
        }
        %mul3A_365 = arith.constant 8 : i32
        %mul3A_366 = arith.muli %scan3A_24, %mul3A_365 : i32
        %add3A_367 = arith.constant 2 : i32
        %add3A_368 = arith.addi %mul3A_366, %add3A_367 : i32
        %lt3A_369 = arith.cmpi slt, %add3A_368, %get3A_0 : i32
        %convert_element_type3A_370 = arith.extui %lt3A_369 : i1 to i32
        %cond3A_371 = arith.constant 0 : i32
        %cond3A_372 = arith.cmpi ne, %convert_element_type3A_370, %cond3A_371 : i32
        scf.if %cond3A_372 {
          %slice3A = vector.extract_strided_slice %concatenate3A_348 {offsets = [2, 0], sizes = [1, 9], strides = [1, 1]} : vector<8x9xi32> to vector<1x9xi32>
          %squeeze3A = vector.shape_cast %slice3A : vector<1x9xi32> to vector<9xi32>
          %broadcast_in_dim3A_413 = vector.shape_cast %squeeze3A : vector<9xi32> to vector<1x9xi32>
          %swap3A_414 = arith.index_cast %get3A_43 : i32 to index
          %swap3A_415 = arith.constant 0 : index
          %swap3A_416 = vector.load %arg7[%swap3A_414, %swap3A_415] : memref<1024x9xi32, #tpu.memory_space<vmem>>, vector<1x9xi32>
          tpu.vector_store %arg7[%swap3A_414, %swap3A_415], %broadcast_in_dim3A_413 {strides = array<i32>} : memref<1024x9xi32, #tpu.memory_space<vmem>>, vector<1x9xi32>,
          %slice3A_417 = vector.extract_strided_slice %broadcast_in_dim3A_337 {offsets = [2, 0, 0], sizes = [1, 10, 16], strides = [1, 1, 1]} : vector<8x10x16xf32> to vector<1x10x16xf32>
          %squeeze3A_418 = vector.shape_cast %slice3A_417 : vector<1x10x16xf32> to vector<10x16xf32>
          %broadcast_in_dim3A_419 = vector.shape_cast %squeeze3A_418 : vector<10x16xf32> to vector<1x10x16xf32>
          %swap3A_420 = arith.index_cast %get3A_43 : i32 to index
          %swap3A_421 = arith.constant 0 : index
          %swap3A_422 = arith.constant 0 : index
          %swap3A_423 = vector.load %arg8[%swap3A_420, %swap3A_421, %swap3A_422] : memref<1024x10x16xf32, #tpu.memory_space<vmem>>, vector<1x10x16xf32>
          tpu.vector_store %arg8[%swap3A_420, %swap3A_421, %swap3A_422], %broadcast_in_dim3A_419 {strides = array<i32>} : memref<1024x10x16xf32, #tpu.memory_space<vmem>>, vector<1x10x16xf32>,
        } else {
        }
        %mul3A_373 = arith.constant 8 : i32
        %mul3A_374 = arith.muli %scan3A_24, %mul3A_373 : i32
        %add3A_375 = arith.constant 3 : i32
        %add3A_376 = arith.addi %mul3A_374, %add3A_375 : i32
        %lt3A_377 = arith.cmpi slt, %add3A_376, %get3A_0 : i32
        %convert_element_type3A_378 = arith.extui %lt3A_377 : i1 to i32
        %cond3A_379 = arith.constant 0 : i32
        %cond3A_380 = arith.cmpi ne, %convert_element_type3A_378, %cond3A_379 : i32
        scf.if %cond3A_380 {
          %slice3A = vector.extract_strided_slice %concatenate3A_348 {offsets = [3, 0], sizes = [1, 9], strides = [1, 1]} : vector<8x9xi32> to vector<1x9xi32>
          %squeeze3A = vector.shape_cast %slice3A : vector<1x9xi32> to vector<9xi32>
          %broadcast_in_dim3A_413 = vector.shape_cast %squeeze3A : vector<9xi32> to vector<1x9xi32>
          %swap3A_414 = arith.index_cast %get3A_49 : i32 to index
          %swap3A_415 = arith.constant 0 : index
          %swap3A_416 = vector.load %arg7[%swap3A_414, %swap3A_415] : memref<1024x9xi32, #tpu.memory_space<vmem>>, vector<1x9xi32>
          tpu.vector_store %arg7[%swap3A_414, %swap3A_415], %broadcast_in_dim3A_413 {strides = array<i32>} : memref<1024x9xi32, #tpu.memory_space<vmem>>, vector<1x9xi32>,
          %slice3A_417 = vector.extract_strided_slice %broadcast_in_dim3A_337 {offsets = [3, 0, 0], sizes = [1, 10, 16], strides = [1, 1, 1]} : vector<8x10x16xf32> to vector<1x10x16xf32>
          %squeeze3A_418 = vector.shape_cast %slice3A_417 : vector<1x10x16xf32> to vector<10x16xf32>
          %broadcast_in_dim3A_419 = vector.shape_cast %squeeze3A_418 : vector<10x16xf32> to vector<1x10x16xf32>
          %swap3A_420 = arith.index_cast %get3A_49 : i32 to index
          %swap3A_421 = arith.constant 0 : index
          %swap3A_422 = arith.constant 0 : index
          %swap3A_423 = vector.load %arg8[%swap3A_420, %swap3A_421, %swap3A_422] : memref<1024x10x16xf32, #tpu.memory_space<vmem>>, vector<1x10x16xf32>
          tpu.vector_store %arg8[%swap3A_420, %swap3A_421, %swap3A_422], %broadcast_in_dim3A_419 {strides = array<i32>} : memref<1024x10x16xf32, #tpu.memory_space<vmem>>, vector<1x10x16xf32>,
        } else {
        }
        %mul3A_381 = arith.constant 8 : i32
        %mul3A_382 = arith.muli %scan3A_24, %mul3A_381 : i32
        %add3A_383 = arith.constant 4 : i32
        %add3A_384 = arith.addi %mul3A_382, %add3A_383 : i32
        %lt3A_385 = arith.cmpi slt, %add3A_384, %get3A_0 : i32
        %convert_element_type3A_386 = arith.extui %lt3A_385 : i1 to i32
        %cond3A_387 = arith.constant 0 : i32
        %cond3A_388 = arith.cmpi ne, %convert_element_type3A_386, %cond3A_387 : i32
        scf.if %cond3A_388 {
          %slice3A = vector.extract_strided_slice %concatenate3A_348 {offsets = [4, 0], sizes = [1, 9], strides = [1, 1]} : vector<8x9xi32> to vector<1x9xi32>
          %squeeze3A = vector.shape_cast %slice3A : vector<1x9xi32> to vector<9xi32>
          %broadcast_in_dim3A_413 = vector.shape_cast %squeeze3A : vector<9xi32> to vector<1x9xi32>
          %swap3A_414 = arith.index_cast %get3A_55 : i32 to index
          %swap3A_415 = arith.constant 0 : index
          %swap3A_416 = vector.load %arg7[%swap3A_414, %swap3A_415] : memref<1024x9xi32, #tpu.memory_space<vmem>>, vector<1x9xi32>
          tpu.vector_store %arg7[%swap3A_414, %swap3A_415], %broadcast_in_dim3A_413 {strides = array<i32>} : memref<1024x9xi32, #tpu.memory_space<vmem>>, vector<1x9xi32>,
          %slice3A_417 = vector.extract_strided_slice %broadcast_in_dim3A_337 {offsets = [4, 0, 0], sizes = [1, 10, 16], strides = [1, 1, 1]} : vector<8x10x16xf32> to vector<1x10x16xf32>
          %squeeze3A_418 = vector.shape_cast %slice3A_417 : vector<1x10x16xf32> to vector<10x16xf32>
          %broadcast_in_dim3A_419 = vector.shape_cast %squeeze3A_418 : vector<10x16xf32> to vector<1x10x16xf32>
          %swap3A_420 = arith.index_cast %get3A_55 : i32 to index
          %swap3A_421 = arith.constant 0 : index
          %swap3A_422 = arith.constant 0 : index
          %swap3A_423 = vector.load %arg8[%swap3A_420, %swap3A_421, %swap3A_422] : memref<1024x10x16xf32, #tpu.memory_space<vmem>>, vector<1x10x16xf32>
          tpu.vector_store %arg8[%swap3A_420, %swap3A_421, %swap3A_422], %broadcast_in_dim3A_419 {strides = array<i32>} : memref<1024x10x16xf32, #tpu.memory_space<vmem>>, vector<1x10x16xf32>,
        } else {
        }
        %mul3A_389 = arith.constant 8 : i32
        %mul3A_390 = arith.muli %scan3A_24, %mul3A_389 : i32
        %add3A_391 = arith.constant 5 : i32
        %add3A_392 = arith.addi %mul3A_390, %add3A_391 : i32
        %lt3A_393 = arith.cmpi slt, %add3A_392, %get3A_0 : i32
        %convert_element_type3A_394 = arith.extui %lt3A_393 : i1 to i32
        %cond3A_395 = arith.constant 0 : i32
        %cond3A_396 = arith.cmpi ne, %convert_element_type3A_394, %cond3A_395 : i32
        scf.if %cond3A_396 {
          %slice3A = vector.extract_strided_slice %concatenate3A_348 {offsets = [5, 0], sizes = [1, 9], strides = [1, 1]} : vector<8x9xi32> to vector<1x9xi32>
          %squeeze3A = vector.shape_cast %slice3A : vector<1x9xi32> to vector<9xi32>
          %broadcast_in_dim3A_413 = vector.shape_cast %squeeze3A : vector<9xi32> to vector<1x9xi32>
          %swap3A_414 = arith.index_cast %get3A_61 : i32 to index
          %swap3A_415 = arith.constant 0 : index
          %swap3A_416 = vector.load %arg7[%swap3A_414, %swap3A_415] : memref<1024x9xi32, #tpu.memory_space<vmem>>, vector<1x9xi32>
          tpu.vector_store %arg7[%swap3A_414, %swap3A_415], %broadcast_in_dim3A_413 {strides = array<i32>} : memref<1024x9xi32, #tpu.memory_space<vmem>>, vector<1x9xi32>,
          %slice3A_417 = vector.extract_strided_slice %broadcast_in_dim3A_337 {offsets = [5, 0, 0], sizes = [1, 10, 16], strides = [1, 1, 1]} : vector<8x10x16xf32> to vector<1x10x16xf32>
          %squeeze3A_418 = vector.shape_cast %slice3A_417 : vector<1x10x16xf32> to vector<10x16xf32>
          %broadcast_in_dim3A_419 = vector.shape_cast %squeeze3A_418 : vector<10x16xf32> to vector<1x10x16xf32>
          %swap3A_420 = arith.index_cast %get3A_61 : i32 to index
          %swap3A_421 = arith.constant 0 : index
          %swap3A_422 = arith.constant 0 : index
          %swap3A_423 = vector.load %arg8[%swap3A_420, %swap3A_421, %swap3A_422] : memref<1024x10x16xf32, #tpu.memory_space<vmem>>, vector<1x10x16xf32>
          tpu.vector_store %arg8[%swap3A_420, %swap3A_421, %swap3A_422], %broadcast_in_dim3A_419 {strides = array<i32>} : memref<1024x10x16xf32, #tpu.memory_space<vmem>>, vector<1x10x16xf32>,
        } else {
        }
        %mul3A_397 = arith.constant 8 : i32
        %mul3A_398 = arith.muli %scan3A_24, %mul3A_397 : i32
        %add3A_399 = arith.constant 6 : i32
        %add3A_400 = arith.addi %mul3A_398, %add3A_399 : i32
        %lt3A_401 = arith.cmpi slt, %add3A_400, %get3A_0 : i32
        %convert_element_type3A_402 = arith.extui %lt3A_401 : i1 to i32
        %cond3A_403 = arith.constant 0 : i32
        %cond3A_404 = arith.cmpi ne, %convert_element_type3A_402, %cond3A_403 : i32
        scf.if %cond3A_404 {
          %slice3A = vector.extract_strided_slice %concatenate3A_348 {offsets = [6, 0], sizes = [1, 9], strides = [1, 1]} : vector<8x9xi32> to vector<1x9xi32>
          %squeeze3A = vector.shape_cast %slice3A : vector<1x9xi32> to vector<9xi32>
          %broadcast_in_dim3A_413 = vector.shape_cast %squeeze3A : vector<9xi32> to vector<1x9xi32>
          %swap3A_414 = arith.index_cast %get3A_67 : i32 to index
          %swap3A_415 = arith.constant 0 : index
          %swap3A_416 = vector.load %arg7[%swap3A_414, %swap3A_415] : memref<1024x9xi32, #tpu.memory_space<vmem>>, vector<1x9xi32>
          tpu.vector_store %arg7[%swap3A_414, %swap3A_415], %broadcast_in_dim3A_413 {strides = array<i32>} : memref<1024x9xi32, #tpu.memory_space<vmem>>, vector<1x9xi32>,
          %slice3A_417 = vector.extract_strided_slice %broadcast_in_dim3A_337 {offsets = [6, 0, 0], sizes = [1, 10, 16], strides = [1, 1, 1]} : vector<8x10x16xf32> to vector<1x10x16xf32>
          %squeeze3A_418 = vector.shape_cast %slice3A_417 : vector<1x10x16xf32> to vector<10x16xf32>
          %broadcast_in_dim3A_419 = vector.shape_cast %squeeze3A_418 : vector<10x16xf32> to vector<1x10x16xf32>
          %swap3A_420 = arith.index_cast %get3A_67 : i32 to index
          %swap3A_421 = arith.constant 0 : index
          %swap3A_422 = arith.constant 0 : index
          %swap3A_423 = vector.load %arg8[%swap3A_420, %swap3A_421, %swap3A_422] : memref<1024x10x16xf32, #tpu.memory_space<vmem>>, vector<1x10x16xf32>
          tpu.vector_store %arg8[%swap3A_420, %swap3A_421, %swap3A_422], %broadcast_in_dim3A_419 {strides = array<i32>} : memref<1024x10x16xf32, #tpu.memory_space<vmem>>, vector<1x10x16xf32>,
        } else {
        }
        %mul3A_405 = arith.constant 8 : i32
        %mul3A_406 = arith.muli %scan3A_24, %mul3A_405 : i32
        %add3A_407 = arith.constant 7 : i32
        %add3A_408 = arith.addi %mul3A_406, %add3A_407 : i32
        %lt3A_409 = arith.cmpi slt, %add3A_408, %get3A_0 : i32
        %convert_element_type3A_410 = arith.extui %lt3A_409 : i1 to i32
        %cond3A_411 = arith.constant 0 : i32
        %cond3A_412 = arith.cmpi ne, %convert_element_type3A_410, %cond3A_411 : i32
        scf.if %cond3A_412 {
          %slice3A = vector.extract_strided_slice %concatenate3A_348 {offsets = [7, 0], sizes = [1, 9], strides = [1, 1]} : vector<8x9xi32> to vector<1x9xi32>
          %squeeze3A = vector.shape_cast %slice3A : vector<1x9xi32> to vector<9xi32>
          %broadcast_in_dim3A_413 = vector.shape_cast %squeeze3A : vector<9xi32> to vector<1x9xi32>
          %swap3A_414 = arith.index_cast %get3A_73 : i32 to index
          %swap3A_415 = arith.constant 0 : index
          %swap3A_416 = vector.load %arg7[%swap3A_414, %swap3A_415] : memref<1024x9xi32, #tpu.memory_space<vmem>>, vector<1x9xi32>
          tpu.vector_store %arg7[%swap3A_414, %swap3A_415], %broadcast_in_dim3A_413 {strides = array<i32>} : memref<1024x9xi32, #tpu.memory_space<vmem>>, vector<1x9xi32>,
          %slice3A_417 = vector.extract_strided_slice %broadcast_in_dim3A_337 {offsets = [7, 0, 0], sizes = [1, 10, 16], strides = [1, 1, 1]} : vector<8x10x16xf32> to vector<1x10x16xf32>
          %squeeze3A_418 = vector.shape_cast %slice3A_417 : vector<1x10x16xf32> to vector<10x16xf32>
          %broadcast_in_dim3A_419 = vector.shape_cast %squeeze3A_418 : vector<10x16xf32> to vector<1x10x16xf32>
          %swap3A_420 = arith.index_cast %get3A_73 : i32 to index
          %swap3A_421 = arith.constant 0 : index
          %swap3A_422 = arith.constant 0 : index
          %swap3A_423 = vector.load %arg8[%swap3A_420, %swap3A_421, %swap3A_422] : memref<1024x10x16xf32, #tpu.memory_space<vmem>>, vector<1x10x16xf32>
          tpu.vector_store %arg8[%swap3A_420, %swap3A_421, %swap3A_422], %broadcast_in_dim3A_419 {strides = array<i32>} : memref<1024x10x16xf32, #tpu.memory_space<vmem>>, vector<1x10x16xf32>,
        } else {
        }
      } else {
      }
    }
    %scan3A_23 = arith.constant 128 : i32
    return
  }
  func.func @transform_1(%arg0: i32, %arg1: memref<1xi32, #tpu.memory_space<smem>>, %arg2: memref<1024xi32, #tpu.memory_space<smem>>, %arg3: memref<3xf32, #tpu.memory_space<smem>>) -> (i32, i32) {
    %c0_i32 = arith.constant 0 : i32
    %c0_i32_0 = arith.constant 0 : i32
    %c0_i32_1 = arith.constant 0 : i32
    return %c0_i32, %c0_i32_0 : i32, i32
  }
  func.func @transform_2(%arg0: i32, %arg1: memref<1xi32, #tpu.memory_space<smem>>, %arg2: memref<1024xi32, #tpu.memory_space<smem>>, %arg3: memref<3xf32, #tpu.memory_space<smem>>) -> (i32, i32, i32) {
    %c0_i32 = arith.constant 0 : i32
    %c0_i32_0 = arith.constant 0 : i32
    %c0_i32_1 = arith.constant 0 : i32
    %c0_i32_2 = arith.constant 0 : i32
    return %c0_i32, %c0_i32_0, %c0_i32_1 : i32, i32, i32
  }
  func.func @transform_3(%arg0: i32, %arg1: memref<1xi32, #tpu.memory_space<smem>>, %arg2: memref<1024xi32, #tpu.memory_space<smem>>, %arg3: memref<3xf32, #tpu.memory_space<smem>>) -> (i32, i32) {
    %c0_i32 = arith.constant 0 : i32
    %c0_i32_0 = arith.constant 0 : i32
    %c0_i32_1 = arith.constant 0 : i32
    return %c0_i32, %c0_i32_0 : i32, i32
  }
  func.func @transform_4(%arg0: i32, %arg1: memref<1xi32, #tpu.memory_space<smem>>, %arg2: memref<1024xi32, #tpu.memory_space<smem>>, %arg3: memref<3xf32, #tpu.memory_space<smem>>) -> (i32, i32, i32) {
    %c0_i32 = arith.constant 0 : i32
    %c0_i32_0 = arith.constant 0 : i32
    %c0_i32_1 = arith.constant 0 : i32
    %c0_i32_2 = arith.constant 0 : i32
    return %c0_i32, %c0_i32_0, %c0_i32_1 : i32, i32, i32
  }
}

</mosaic_0001>

<sc_bundles>
// kernel: kernel.4.cloned.1.call-start
scs
__scs_entry_jumppad:
0x0: {  	(pc) =	sbr.rel $0x88, $3  }
0x1: {  	(tag) =	ssettag $0x0;
	lr =	simm.s32 $0x1  }
0x2: {  	[smem:$0x3F9B] =	sst lr;
	_ =	strace $0xD0000000  }
0x3: {  	_ = 	snop  }
0x4: {  	_ = 	snop  }
0x5: {  	_ = 	snop  }
0x6: {  	_ = 	snop  }
0x7: {  	_ = 	snop  }
__scs_overlays_trampoline_lowered:
0x8: {  	[smem:$0x3FAA] =	sst s0  }
0x9: {  	[smem:$0x3FAB] =	sst s1  }
0xa: {  	[smem:$0x3FAC] =	sst s2  }
0xb: {  	[smem:$0x3FAD] =	sst s3  }
0xc: {  	[smem:$0x3FAE] =	sst s4  }
0xd: {  	[smem:$0x3FAF] =	sst s5  }
0xe: {  	[smem:$0x3FB0] =	sst s6  }
0xf: {  	[smem:$0x3FB1] =	sst s7  }
0x10: {  	[smem:$0x3FB2] =	sst s8  }
0x11: {  	[smem:$0x3FB3] =	sst s9;
	s0 =	simm.s32 @!p0 $0x0  }
0x12: {  	s1 =	sld [smem:$0x3F99];
	s0 =	simm.s32 @p0 $0x1  }
0x13: {  	[smem:$0x3FB4] =	sst s0;
	s0 =	simm.s32 @!p1 $0x0  }
0x14: {  	s2 =	sld [smem:$0x3F98];
	s0 =	simm.s32 @p1 $0x1  }
0x15: {  	[smem:$0x3FB5] =	sst s0;
	s0 =	simm.s32 @!p2 $0x0  }
0x16: {  	s3 =	sld [smem:$0x3FDB];
	s0 =	simm.s32 @p2 $0x1  }
0x17: {  	s4 =	simm.s32 $0x1BF5;
	[smem:$0x3FB7] =	sst s0  }
0x18: {  	s0 =	sld [smem:$0x3F9A];
	_ =	swait.ge [sflag:s4], $0x0  }
0x19: {  	s7 =	sld [smem:$0x3F9B]  }
0x1a: {  	s8 =	sadd.s32 $0xFFFFE003, lr  }
0x1b: {  	s9 =	sadd.s32 $0xFFFFFEF7, lr;
	s5 =	simm.s32 $0xFFFFFFFF;
	p2 =	slt.u32 s8, $0xFFFFF086  }
0x1c: {  	p1 =	slt.u32 s9, $0xF7A;
	s5 =	simm.s32 @!p2 $0x0  }
0x1d: {  	s5 =	simm.s32 @p1 $0x1;
	p0 =	seq.s32 s7, s2  }
0x1e: {  	s7 =	smul.u32 @!p0 $0xF7A, s2;
	p2 =	seq.s32 @!p0 s5, $0x0  }
0x1f: {  	s9 =	smul.u32 $0xF7A, s1;
	s8 =	simm.s32 @!p0 $0x1BF5;
	p2 =	por !p2, p0  }
0x20: {  	[sflag:s8] =	ssyncset.s32 @!p0 $0xFFFFF086;
	s6 =	sadd.s32 @!p0 s3, s7;
	s7 =	simm.s32 @!p0 $0x108  }
0x21: {  	s3 =	sadd.s32 s3, s9;
	s6 =	sadd.s32 @!p0 $0x88, s6;
	s7 =	simm.s32 @p2 $0x1082  }
0x22: {  	[simem:s7], [sflag:s8] =	dma.local @!p0 [hbm:s6], $0xF7A  }
0x23: {  	s9 =	sor.u32 $0xD0000000, s2;
	s6 =	simm.s32 $0x108;
	_ =	swait.ge @!p0 [sflag:s8], $0x0  }
0x24: {  	s3 =	sadd.s32 $0x88, s3;
	s6 =	simm.s32 @!p1 $0x1082;
	[sflag:s4] =	ssyncset.s32 $0xFFFFF086  }
0x25: {  	[simem:s6], [sflag:s4] =	dma.local [hbm:s3], $0xF7A  }
0x26: {  	[smem:$0x3F9B] =	sst s1;
	(tag) =	ssettag s2;
	_ =	strace s9  }
0x27: {  	s1 =	sld [smem:$0x3FAB]  }
0x28: {  	s2 =	sld [smem:$0x3FAC]  }
0x29: {  	s4 =	sld [smem:$0x3FAE]  }
0x2a: {  	p0 =	seq.s32 s5, $0x0;
	s5 =	sld [smem:$0x3FAF]  }
0x2b: {  	s6 =	sld [smem:$0x3FB0]  }
0x2c: {  	s7 =	sld [smem:$0x3FB1]  }
0x2d: {  	s3 =	simm.s32 $0x108;
	s8 =	sld [smem:$0x3FB2]  }
0x2e: {  	s3 =	simm.s32 @!p0 $0x1082;
	s9 =	sld [smem:$0x3FB3]  }
0x2f: {  	lr =	sadd.s32 s0, s3;
	s0 =	sld [smem:$0x3FAA]  }
0x30: {  	s3 =	sld [smem:$0x3FAD]  }
0x31: {  	[smem:$0x3FB6] =	sst s10  }
0x32: {  	s10 =	sld [smem:$0x3FB4];
	_ =	sdelay $0x3  }
0x33: {  	p0 =	seq.s32 s10, $0x1;
	s10 =	sld [smem:$0x3FB6];
	_ =	sdelay $0x3  }
0x34: {  	[smem:$0x3FB6] =	sst s10  }
0x35: {  	s10 =	sld [smem:$0x3FB5];
	_ =	sdelay $0x3  }
0x36: {  	p1 =	seq.s32 s10, $0x1;
	s10 =	sld [smem:$0x3FB6];
	_ =	sdelay $0x3  }
0x37: {  	[smem:$0x3FB6] =	sst s10  }
0x38: {  	s10 =	sld [smem:$0x3FB7]  }
0x39: {  	_ = 	snop;
	(pc) =	sbr.ind lr, $3  }
0x3a: {  	_ = 	snop  }
0x3b: {  	_ = 	snop  }
0x3c: {  	p2 =	seq.s32 s10, $0x1;
	s10 =	sld [smem:$0x3FB6]  }
0x3d: {  	_ =	shalt  }
0x3e: {  	_ =	shalt  }
0x3f: {  	_ =	shalt  }
0x40: {  	_ =	shalt  }
0x41: {  	_ =	shalt  }
0x42: {  	_ =	shalt  }
0x43: {  	_ =	shalt  }
0x44: {  	_ =	shalt  }
0x45: {  	_ =	shalt  }
0x46: {  	_ =	shalt  }
0x47: {  	_ =	shalt  }
0x48: {  	_ =	shalt  }
0x49: {  	_ =	shalt  }
0x4a: {  	_ =	shalt  }
0x4b: {  	_ =	shalt  }
0x4c: {  	_ =	shalt  }
0x4d: {  	_ =	shalt  }
0x4e: {  	_ =	shalt  }
0x4f: {  	_ =	shalt  }
0x50: {  	_ =	shalt  }
0x51: {  	_ =	shalt  }
0x52: {  	_ =	shalt  }
0x53: {  	_ =	shalt  }
0x54: {  	_ =	shalt  }
0x55: {  	_ =	shalt  }
0x56: {  	_ =	shalt  }
0x57: {  	_ =	shalt  }
0x58: {  	_ =	shalt  }
0x59: {  	_ =	shalt  }
0x5a: {  	_ =	shalt  }
0x5b: {  	_ =	shalt  }
0x5c: {  	_ =	shalt  }
0x5d: {  	_ =	shalt  }
0x5e: {  	_ =	shalt  }
0x5f: {  	_ =	shalt  }
0x60: {  	_ =	shalt  }
0x61: {  	_ =	shalt  }
0x62: {  	_ =	shalt  }
0x63: {  	_ =	shalt  }
0x64: {  	_ =	shalt  }
0x65: {  	_ =	shalt  }
0x66: {  	_ =	shalt  }
0x67: {  	_ =	shalt  }
0x68: {  	_ =	shalt  }
0x69: {  	_ =	shalt  }
0x6a: {  	_ =	shalt  }
0x6b: {  	_ =	shalt  }
0x6c: {  	_ =	shalt  }
0x6d: {  	_ =	shalt  }
0x6e: {  	_ =	shalt  }
0x6f: {  	_ =	shalt  }
0x70: {  	_ =	shalt  }
0x71: {  	_ =	shalt  }
0x72: {  	_ =	shalt  }
0x73: {  	_ =	shalt  }
0x74: {  	_ =	shalt  }
0x75: {  	_ =	shalt  }
0x76: {  	_ =	shalt  }
0x77: {  	_ =	shalt  }
0x78: {  	_ =	shalt  }
0x79: {  	_ =	shalt  }
0x7a: {  	_ =	shalt  }
0x7b: {  	_ =	shalt  }
0x7c: {  	_ =	shalt  }
0x7d: {  	_ =	shalt  }
0x7e: {  	_ =	shalt  }
0x7f: {  	_ =	shalt  }
0x80: {  	_ =	shalt  }
0x81: {  	_ =	shalt  }
0x82: {  	_ =	shalt  }
0x83: {  	_ =	shalt  }
0x84: {  	_ =	shalt  }
0x85: {  	_ =	shalt  }
0x86: {  	_ =	shalt  }
0x87: {  	_ =	shalt  }
.Lfunc_end0:
.L_simem_size_0:
called_computation_lowered:
.L_overlay_start_0:
0x88: {  	s2 =	sld [smem:$0x3FD9]  }
0x89: {  	s3 =	sld [smem:$0x3FFE];
	_ =	sdelay $0x1  }
0x8a: {  	s1 =	srdreg.scid  }
0x8b: {  	s0 =	sand.u32 $0x1, s1  }
0x8c: {  	s17 =	sshll.u32 s0, $0xA;
	s2 =	sadd.s32 s3, s2  }
0x8d: {  	s2 =	sadd.s32 s2, s17  }
0x8e: {  	[smem:$0x3FC2] =	sst s2  }
0x8f: {  	_ = 	snop  }
0x90: {  	s2 =	sld [smem:$0x3FC7]  }
0x91: {  	s18 =	sld [smem:$0x3FD0];
	(tm) =	ssettm $0x1  }
0x92: {  	s4 =	sld [smem:$0x3FFB];
	_ =	sdelay $0x3  }
0x93: {  	_ =	strace s4  }
0x94: {  	s4 =	sld [smem:$0x3FFC];
	_ =	sdelay $0x3  }
0x95: {  	_ =	strace s4  }
0x96: {  	s4 =	sld [smem:$0x3FFD];
	_ =	sdelay $0x3  }
0x97: {  	_ =	strace s4  }
0x98: {  	_ =	strace $0x8FFFFFFF  }
0x99: {  	s19 =	sld [smem:$0x3FDB];
	_ =	sdelay $0x1  }
0x9a: {  	s5 =	simm.s32 $_scs_section_size  }
0x9b: {  	s6 =	simm.s32 $_size__tile_overlayer_lowered;
	s7 =	simm.s32 $_tile_overlayer_lowered  }
0x9c: {  	s22 =	simm.s32 $0x1BFF;
	s21 =	sshll.u32 s7, $0x1;
	s4 =	sadd.s32 s5, s19  }
0x9d: {  	s8 =	simm.s32 $0x0;
	s20 =	sshll.u32 s6, $0x1;
	s6 =	sadd.s32 s21, s4  }
0x9e: {  	[timem:s8], [sflag:s22] =	dma.local [hbm:s6], s20  }
0x9f: {  	_ =	swait.ge [sflag:s22], s20  }
0xa0: {  	s5 =	ssub.s32 $0x0, s20;
	[sflag:s22] =	ssyncset.done $0x0  }
0xa1: {  	[sflag:s22] =	ssyncadd.s32 s5;
	_ =	sdelay $0x1  }
0xa2: {  	s23 =	simm.s32 $0x1B8B  }
0xa3: {  	_ =	swait.ge [sflag:s23], $0x1  }
0xa4: {  	[sflag:s23] =	ssyncset.done $0x0  }
0xa5: {  	s25 =	simm.s32 $0x1B8E;
	s24 =	sld [smem:$0x3FFE];
	[sflag:s23] =	ssyncadd.s32 $0xFFFFFFFF  }
0xa6: {  	s26 =	simm.s32 $execute0_lowered;
	[smem:$0x3FD2] =	sst s25  }
0xa7: {  	s6 =	sshll.u32 s26, $0x1;
	_ =	strace $0x80000046;
	[dreg:$0x1] =	wrdreg $0xFFFFFFFF  }
0xa8: {  	s28 =	simm.s32 $_size_execute0_lowered;
	s4 =	sadd.s32 s4, s6;
	[dreg:$0x0] =	wrdreg $0x0  }
0xa9: {  	s6 =	sshll.u32 s28, $0x1;
	[dreg:$0x2] =	wrdreg s4  }
0xaa: {  	[dreg:$0x3] =	wrdreg s6  }
0xab: {  	[dreg:$0x4] =	wrdreg $0xC0  }
0xac: {  	_ =	task [dreg:s8], $0x5FFFF  }
0xad: {  	[dreg:$0x1] =	wrdreg $0xFFFFFFFF  }
0xae: {  	[dreg:$0x0] =	wrdreg $0x60  }
0xaf: {  	[dreg:$0x2] =	wrdreg s2  }
0xb0: {  	[dreg:$0x3] =	wrdreg s24  }
0xb1: {  	[dreg:$0x4] =	wrdreg s18  }
0xb2: {  	[dreg:$0x5] =	wrdreg $0x9  }
0xb3: {  	_ =	task.clear_ibuf [dreg:s8], $0x6FFFF;
	_ =	strace $0x90000046  }
0xb4: {  	s29 =	simm.s32 $0x9;
	_ =	strace $0x80000048  }
0xb5: {  	_ =	swait.ge [sflag:s29], $0x1  }
0xb6: {  	[sflag:s29] =	ssyncadd.s32 $0xFFFFFFFF  }
0xb7: {  	_ =	strace $0x90000048  }
0xb8: {  	_ =	sfence  }
0xb9: {  	s30 =	sld [smem:$0x0];
	_ =	sdelay $0x2  }
0xba: {  	s31 =	sshll.u32 s1, $0xD;
	s1 =	sshrl.u32 s1, $0x2  }
0xbb: {  	s3 =	sand.u32 $0x4000, s31;
	s1 =	sadd.s32 s1, s30  }
0xbc: {  	s0 =	sor.u32 s3, s0;
	s1 =	sshll.u32 s1, $0x11  }
0xbd: {  	s0 =	sor.u32 s1, s0  }
0xbe: {  	s0 =	sadd.s32 $0x8F2B, s0  }
0xbf: {  	[sflag:s0] =	ssyncadd.remote.s32 $0x1  }
0xc0: {  	_ =	sfence.sel $0xFFFF  }
0xc1: {  	[dreg:$0x0] =	wrdreg $0xFFFFFFFF;
	(pc) =	sbr.abs _section_cstart, $3  }
0xc2: {  	[dreg:$0x1] =	wrdreg $0xFFFFFFFF  }
0xc3: {  	_ =	task.clear_ibuf [dreg:s8], $0x2FFFF;
	_ =	strace $0x9FFFFFFF  }
0xc4: {  	(tm) =	ssettm $0x7FFFFFFF  }
0xc5: {  	_ =	shalt  }
tec
execute0_lowered:
.L_overlay_start_1:
0x0: {  	(tag) =	ssettag $0x1  }
0x1: {  	s1 =	rddreg [dreg:$0x0]  }
0x2: {  	s2 =	srdreg.scid;
	s5 =	rddreg [dreg:$0x1]  }
0x3: {  	s0 =	stileid.u32;
	s7 =	rddreg [dreg:$0x2]  }
0x4: {  	s3 =	simm.s32 $0x0;
	s10 =	simm.s32 $0x400;
	s11 =	simm.s32 $0x9280  }
0x5: {  	s12 =	simm.s32 $0x9200;
	s13 =	simm.s32 $0x60;
	s14 =	simm.s32 $0x200  }
0x6: {  	s15 =	simm.s32 $0x3200;
	s16 =	simm.s32 $0x100;
	s17 =	simm.s32 $0x6200  }
0x7: {  	s18 =	simm.s32 $0x1;
	s19 =	simm.s32 $0xA680;
	s20 =	simm.s32 $0x0  }
0x8: {  	s4 =	sand.u32 $0x1, s2;
	s28 =	sshll.u32 s0, $0x1;
	s2 =	rddreg [dreg:$0x3]  }
0x9: {  	s29 =	sshrl.u32 s0, $0x2;
	[smem:$0x7FF] =	sst s3;
	s6 =	sor.u32 s4, s28  }
0xa: {  	s8 =	smul.u32 $0xA000, s29;
	s4 =	ssub.s32 $0x2, s4;
	s9 =	sshll.u32 s6, $0x7  }
0xb: {  	_ =	strace $0x80000047;
	s30 =	sshrl.u32 s4, $0x1;
	s9 =	sand.u32 $0x380, s9  }
0xc: {  	s31 =	sshll.u32 s6, $0x6;
	s6 =	sshll.u32 s6, $0x9;
	s8 =	sor.u32 s8, s9  }
0xd: {  	s6 =	sadd.s32 s7, s6;
	s9 =	ssub.s32 s4, s30;
	s8 =	sshrl.u32 s8, $0x3  }
0xe: {  	s4 =	sadd.s32 s5, s31;
	s7 =	smax.u32 s9, $0x1;
	s8 =	sadd.s32 s8, s5  }
0xf: {  	s9 =	simm.s32 $0x80;
	s5 =	sadd.s32 $0x800, s8;
	s8 =	simm.s32 $0x2  }
.LBB2_1:
0x10: {  	[tilespmem:s3], [sflag:$0x2] =	stream.linear.gather [hbm4b:s4+s3], $0x180, $0x38;
	[tilespmem:$0xB680] =	vst v63  }
0x11: {  	_ =	swait.ge [sflag:s8], $0x180  }
0x12: {  	[sflag:s8] =	ssyncset.done $0x0  }
0x13: {  	[sflag:s8] =	ssyncadd.s32 $0xFFFFFE80  }
0x14: {  	[tilespmem:s11], [sflag:$0x2] =	stream.strided.gather [hbm4b:s5+s9], $0x1400, s10, s9, $0x38;
	[tilespmem:$0xB680] =	vst v63  }
0x15: {  	_ =	swait.ge [sflag:s8], $0x1400  }
0x16: {  	[sflag:s8] =	ssyncset.done $0x0  }
0x17: {  	[sflag:s8] =	ssyncadd.s32 $0xFFFFEC00  }
0x18: {  	[tilespmem:s12], [sflag:$0x2] =	stream.linear.gather [hbm4b:s1+s3], $0x80, $0x38;
	[tilespmem:$0xB680] =	vst v63  }
0x19: {  	_ =	swait.ge [sflag:s8], $0x80  }
0x1a: {  	[sflag:s8] =	ssyncset.done $0x0  }
0x1b: {  	[sflag:s8] =	ssyncadd.s32 $0xFFFFFF80  }
0x1c: {  	[tilespmem:s14], [sflag:$0x1] =	stream.indirect.gather [hbm4b:s1+s13], $0x80, s3, s13, $0xb8;
	[tilespmem:$0xB680] =	vst v63  }
0x1d: {  	_ = 	snop  }
0x1e: {  	[tilespmem:s15], [sflag:$0x1] =	stream.indirect.gather [hbm4b:s1+s13], $0x80, s9, s13, $0xb8;
	[tilespmem:$0xB680] =	vst v63  }
0x1f: {  	_ = 	snop  }
0x20: {  	[tilespmem:s17], [sflag:$0x1] =	stream.indirect.gather [hbm4b:s1+s13], $0x80, s16, s13, $0xb8;
	[tilespmem:$0xB680] =	vst v63  }
0x21: {  	_ =	swait.ge [sflag:s18], $0x3000  }
0x22: {  	[sflag:s18] =	ssyncset.done $0x0  }
0x23: {  	[sflag:s18] =	ssyncadd.s32 $0xFFFFD000  }
0x24: {  	_ =	swait.ge [sflag:s18], $0x3000  }
0x25: {  	[sflag:s18] =	ssyncset.done $0x0  }
0x26: {  	[sflag:s18] =	ssyncadd.s32 $0xFFFFD000  }
0x27: {  	_ =	swait.ge [sflag:s18], $0x3000  }
0x28: {  	[sflag:s18] =	ssyncset.done $0x0  }
0x29: {  	s22 =	simm.s32 $0x92D0;
	[sflag:s18] =	ssyncadd.s32 $0xFFFFD000  }
0x2a: {  	s21 =	simm.s32 $0x440;
	v0 =	vld [tilespmem:s22+$0xFFFFFFB0]  }
0x2b: {  	v1 =	vld [tilespmem:s21+$0xFFFFFDC0]  }
0x2c: {  	v2 =	vld [tilespmem:s22+$0xFFFFFFC0]  }
0x2d: {  	v3 =	vld [tilespmem:$0x9200]  }
0x2e: {  	v4 =	vld [tilespmem:s21+$0xFFFFFE40]  }
0x2f: {  	v5 =	vld [tilespmem:s22+$0xFFFFFFD0]  }
0x30: {  	v6 =	vld [tilespmem:s21+$0xFFFFFEC0]  }
0x31: {  	v7 =	vld [tilespmem:s22+$0xFFFFFFE0]  }
0x32: {  	v1 =	vmul.f32 v1, v2;
	v0 =	vmul.f32 v3, v0;
	v2 =	vld [tilespmem:s21+$0xFFFFFF40]  }
0x33: {  	v3 =	vld [tilespmem:s22+$0xFFFFFFF0]  }
0x34: {  	v0 =	vadd.f32 v1, v0;
	v1 =	vmul.f32 v4, v5;
	v4 =	vld [tilespmem:s21+$0xFFFFFFC0]  }
0x35: {  	v5 =	vld [tilespmem:s22+$0x0]  }
0x36: {  	v0 =	vadd.f32 v1, v0;
	v1 =	vmul.f32 v6, v7;
	v6 =	vld [tilespmem:s21+$0x40]  }
0x37: {  	v7 =	vld [tilespmem:s22+$0x10]  }
0x38: {  	v0 =	vadd.f32 v1, v0;
	v1 =	vmul.f32 v2, v3;
	v2 =	vld [tilespmem:s21+$0xC0]  }
0x39: {  	v3 =	vld [tilespmem:s22+$0x20]  }
0x3a: {  	s24 =	sand.u32 $0x1FE0, s3;
	v0 =	vadd.f32 v1, v0;
	v1 =	vmul.f32 v4, v5;
	v4 =	vld [tilespmem:s21+$0x140]  }
0x3b: {  	v5 =	vld [tilespmem:s24+$0x9300]  }
0x3c: {  	v0 =	vadd.f32 v1, v0;
	v1 =	vmul.f32 v6, v7;
	v6 =	vld [tilespmem:s21+$0x1C0]  }
0x3d: {  	v7 =	vld [tilespmem:s22+$0x40]  }
0x3e: {  	v0 =	vadd.f32 v1, v0;
	v1 =	vmul.f32 v2, v3;
	_ =	sdelay $0x1  }
0x3f: {  	v0 =	vadd.f32 v1, v0;
	v1 =	vmul.f32 v4, v5;
	_ =	sdelay $0x1  }
0x40: {  	v0 =	vadd.f32 v1, v0;
	v1 =	vmul.f32 v6, v7;
	_ =	sdelay $0x1  }
0x41: {  	v0 =	vadd.f32 v1, v0  }
0x42: {  	s23 =	simm.s32 $0xA6C0  }
0x43: {  	[tilespmem:s23+$0xFFFFFFC0] =	vst v0  }
0x44: {  	v0 =	vld [tilespmem:s21+$0xFFFFFDD0]  }
0x45: {  	v1 =	vld [tilespmem:s22+$0xFFFFFFB0]  }
0x46: {  	v2 =	vld [tilespmem:s22+$0xFFFFFFC0]  }
0x47: {  	v3 =	vld [tilespmem:$0x9210]  }
0x48: {  	v4 =	vld [tilespmem:s21+$0xFFFFFE50]  }
0x49: {  	v5 =	vld [tilespmem:s22+$0xFFFFFFD0]  }
0x4a: {  	v6 =	vld [tilespmem:s21+$0xFFFFFED0]  }
0x4b: {  	v7 =	vld [tilespmem:s22+$0xFFFFFFE0]  }
0x4c: {  	v0 =	vmul.f32 v0, v2;
	v1 =	vmul.f32 v3, v1;
	v2 =	vld [tilespmem:s21+$0xFFFFFF50]  }
0x4d: {  	v3 =	vld [tilespmem:s22+$0xFFFFFFF0]  }
0x4e: {  	v0 =	vadd.f32 v0, v1;
	v1 =	vmul.f32 v4, v5;
	v4 =	vld [tilespmem:s21+$0xFFFFFFD0]  }
0x4f: {  	v5 =	vld [tilespmem:s22+$0x0]  }
0x50: {  	v0 =	vadd.f32 v1, v0;
	v1 =	vmul.f32 v6, v7;
	v6 =	vld [tilespmem:s21+$0x50]  }
0x51: {  	v7 =	vld [tilespmem:s22+$0x10]  }
0x52: {  	v0 =	vadd.f32 v1, v0;
	v1 =	vmul.f32 v2, v3;
	v2 =	vld [tilespmem:s21+$0xD0]  }
0x53: {  	v3 =	vld [tilespmem:s22+$0x20]  }
0x54: {  	v0 =	vadd.f32 v1, v0;
	v1 =	vmul.f32 v4, v5;
	v4 =	vld [tilespmem:s21+$0x150]  }
0x55: {  	v5 =	vld [tilespmem:s24+$0x9300]  }
0x56: {  	v0 =	vadd.f32 v1, v0;
	v1 =	vmul.f32 v6, v7;
	v6 =	vld [tilespmem:s21+$0x1D0]  }
0x57: {  	v7 =	vld [tilespmem:s22+$0x40]  }
0x58: {  	v0 =	vadd.f32 v1, v0;
	v1 =	vmul.f32 v2, v3;
	_ =	sdelay $0x1  }
0x59: {  	v0 =	vadd.f32 v1, v0;
	v1 =	vmul.f32 v4, v5;
	_ =	sdelay $0x1  }
0x5a: {  	v0 =	vadd.f32 v1, v0;
	v1 =	vmul.f32 v6, v7;
	_ =	sdelay $0x1  }
0x5b: {  	v0 =	vadd.f32 v1, v0;
	_ =	sdelay $0x1  }
0x5c: {  	[tilespmem:s23+$0xFFFFFFD0] =	vst v0  }
0x5d: {  	v0 =	vld [tilespmem:s22+$0xFFFFFFB0]  }
0x5e: {  	v1 =	vld [tilespmem:$0x9220]  }
0x5f: {  	v2 =	vld [tilespmem:s21+$0xFFFFFDE0]  }
0x60: {  	v3 =	vld [tilespmem:s22+$0xFFFFFFC0]  }
0x61: {  	v4 =	vld [tilespmem:s22+$0xFFFFFFD0]  }
0x62: {  	v5 =	vld [tilespmem:s21+$0xFFFFFE60]  }
0x63: {  	v6 =	vld [tilespmem:s22+$0xFFFFFFE0]  }
0x64: {  	v7 =	vld [tilespmem:s21+$0xFFFFFEE0]  }
0x65: {  	v0 =	vmul.f32 v1, v0;
	v1 =	vmul.f32 v2, v3;
	v2 =	vld [tilespmem:s21+$0xFFFFFF60]  }
0x66: {  	v3 =	vld [tilespmem:s22+$0xFFFFFFF0]  }
0x67: {  	v0 =	vadd.f32 v1, v0;
	v1 =	vmul.f32 v5, v4;
	v4 =	vld [tilespmem:s21+$0xFFFFFFE0]  }
0x68: {  	v5 =	vld [tilespmem:s22+$0x0]  }
0x69: {  	v0 =	vadd.f32 v1, v0;
	v1 =	vmul.f32 v7, v6;
	v6 =	vld [tilespmem:s21+$0x60]  }
0x6a: {  	v7 =	vld [tilespmem:s22+$0x10]  }
0x6b: {  	v0 =	vadd.f32 v1, v0;
	v1 =	vmul.f32 v2, v3;
	v2 =	vld [tilespmem:s21+$0xE0]  }
0x6c: {  	v3 =	vld [tilespmem:s22+$0x20]  }
0x6d: {  	v0 =	vadd.f32 v1, v0;
	v1 =	vmul.f32 v4, v5;
	v4 =	vld [tilespmem:s21+$0x160]  }
0x6e: {  	v5 =	vld [tilespmem:s24+$0x9300]  }
0x6f: {  	v0 =	vadd.f32 v1, v0;
	v1 =	vmul.f32 v6, v7;
	v6 =	vld [tilespmem:s21+$0x1E0]  }
0x70: {  	v7 =	vld [tilespmem:s22+$0x40]  }
0x71: {  	v0 =	vadd.f32 v1, v0;
	v1 =	vmul.f32 v2, v3;
	_ =	sdelay $0x1  }
0x72: {  	v0 =	vadd.f32 v1, v0;
	v1 =	vmul.f32 v4, v5;
	_ =	sdelay $0x1  }
0x73: {  	v0 =	vadd.f32 v1, v0;
	v1 =	vmul.f32 v6, v7;
	_ =	sdelay $0x1  }
0x74: {  	v0 =	vadd.f32 v1, v0;
	_ =	sdelay $0x1  }
0x75: {  	[tilespmem:s23+$0xFFFFFFE0] =	vst v0  }
0x76: {  	v0 =	vld [tilespmem:s21+$0xFFFFFDF0]  }
0x77: {  	v1 =	vld [tilespmem:s22+$0xFFFFFFB0]  }
0x78: {  	v2 =	vld [tilespmem:$0x9230]  }
0x79: {  	v3 =	vld [tilespmem:s22+$0xFFFFFFC0]  }
0x7a: {  	v4 =	vld [tilespmem:s22+$0xFFFFFFD0]  }
0x7b: {  	v5 =	vld [tilespmem:s21+$0xFFFFFE70]  }
0x7c: {  	v6 =	vld [tilespmem:s21+$0xFFFFFEF0]  }
0x7d: {  	v7 =	vld [tilespmem:s22+$0xFFFFFFE0]  }
0x7e: {  	v1 =	vmul.f32 v2, v1;
	v0 =	vmul.f32 v0, v3;
	v2 =	vld [tilespmem:s21+$0xFFFFFF70]  }
0x7f: {  	v3 =	vld [tilespmem:s22+$0xFFFFFFF0]  }
0x80: {  	v0 =	vadd.f32 v0, v1;
	v1 =	vmul.f32 v5, v4;
	v4 =	vld [tilespmem:s21+$0xFFFFFFF0]  }
0x81: {  	v5 =	vld [tilespmem:s22+$0x0]  }
0x82: {  	v0 =	vadd.f32 v1, v0;
	v1 =	vmul.f32 v6, v7;
	v6 =	vld [tilespmem:s21+$0x70]  }
0x83: {  	v7 =	vld [tilespmem:s22+$0x10]  }
0x84: {  	v0 =	vadd.f32 v1, v0;
	v1 =	vmul.f32 v2, v3;
	v2 =	vld [tilespmem:s21+$0xF0]  }
0x85: {  	v3 =	vld [tilespmem:s22+$0x20]  }
0x86: {  	v0 =	vadd.f32 v1, v0;
	v1 =	vmul.f32 v4, v5;
	v4 =	vld [tilespmem:s21+$0x170]  }
0x87: {  	v5 =	vld [tilespmem:s24+$0x9300]  }
0x88: {  	v0 =	vadd.f32 v1, v0;
	v1 =	vmul.f32 v6, v7;
	v6 =	vld [tilespmem:s21+$0x1F0]  }
0x89: {  	v7 =	vld [tilespmem:s22+$0x40]  }
0x8a: {  	v0 =	vadd.f32 v1, v0;
	v1 =	vmul.f32 v2, v3;
	_ =	sdelay $0x1  }
0x8b: {  	v0 =	vadd.f32 v1, v0;
	v1 =	vmul.f32 v4, v5;
	_ =	sdelay $0x1  }
0x8c: {  	v0 =	vadd.f32 v1, v0;
	v1 =	vmul.f32 v6, v7;
	_ =	sdelay $0x1  }
0x8d: {  	v0 =	vadd.f32 v1, v0;
	_ =	sdelay $0x1  }
0x8e: {  	[tilespmem:s23+$0xFFFFFFF0] =	vst v0  }
0x8f: {  	v0 =	vld [tilespmem:$0x9240]  }
0x90: {  	v1 =	vld [tilespmem:s22+$0xFFFFFFB0]  }
0x91: {  	v2 =	vld [tilespmem:s21+$0xFFFFFE00]  }
0x92: {  	v3 =	vld [tilespmem:s22+$0xFFFFFFC0]  }
0x93: {  	v4 =	vld [tilespmem:s21+$0xFFFFFE80]  }
0x94: {  	v5 =	vld [tilespmem:s22+$0xFFFFFFD0]  }
0x95: {  	v6 =	vld [tilespmem:s21+$0xFFFFFF00]  }
0x96: {  	v7 =	vld [tilespmem:s22+$0xFFFFFFE0]  }
0x97: {  	v0 =	vmul.f32 v0, v1;
	v1 =	vmul.f32 v2, v3;
	v2 =	vld [tilespmem:s21+$0xFFFFFF80]  }
0x98: {  	v3 =	vld [tilespmem:s22+$0xFFFFFFF0]  }
0x99: {  	v0 =	vadd.f32 v1, v0;
	v1 =	vmul.f32 v4, v5;
	v4 =	vld [tilespmem:s21+$0x0]  }
0x9a: {  	v5 =	vld [tilespmem:s22+$0x0]  }
0x9b: {  	v0 =	vadd.f32 v1, v0;
	v1 =	vmul.f32 v6, v7;
	v6 =	vld [tilespmem:s21+$0x80]  }
0x9c: {  	v7 =	vld [tilespmem:s22+$0x10]  }
0x9d: {  	v0 =	vadd.f32 v1, v0;
	v1 =	vmul.f32 v2, v3;
	v2 =	vld [tilespmem:s21+$0x100]  }
0x9e: {  	v3 =	vld [tilespmem:s22+$0x20]  }
0x9f: {  	v0 =	vadd.f32 v1, v0;
	v1 =	vmul.f32 v4, v5;
	v4 =	vld [tilespmem:s21+$0x180]  }
0xa0: {  	v5 =	vld [tilespmem:s24+$0x9300]  }
0xa1: {  	v0 =	vadd.f32 v1, v0;
	v1 =	vmul.f32 v6, v7;
	v6 =	vld [tilespmem:s21+$0x200]  }
0xa2: {  	v7 =	vld [tilespmem:s22+$0x40]  }
0xa3: {  	v0 =	vadd.f32 v1, v0;
	v1 =	vmul.f32 v2, v3;
	_ =	sdelay $0x1  }
0xa4: {  	v0 =	vadd.f32 v1, v0;
	v1 =	vmul.f32 v4, v5;
	_ =	sdelay $0x1  }
0xa5: {  	v0 =	vadd.f32 v1, v0;
	v1 =	vmul.f32 v6, v7;
	_ =	sdelay $0x1  }
0xa6: {  	v0 =	vadd.f32 v1, v0;
	_ =	sdelay $0x1  }
0xa7: {  	[tilespmem:s23+$0x0] =	vst v0  }
0xa8: {  	v0 =	vld [tilespmem:$0x9250]  }
0xa9: {  	v1 =	vld [tilespmem:s22+$0xFFFFFFB0]  }
0xaa: {  	v2 =	vld [tilespmem:s21+$0xFFFFFE10]  }
0xab: {  	v3 =	vld [tilespmem:s22+$0xFFFFFFC0]  }
0xac: {  	v4 =	vld [tilespmem:s22+$0xFFFFFFD0]  }
0xad: {  	v5 =	vld [tilespmem:s21+$0xFFFFFE90]  }
0xae: {  	v6 =	vld [tilespmem:s22+$0xFFFFFFE0]  }
0xaf: {  	v7 =	vld [tilespmem:s21+$0xFFFFFF10]  }
0xb0: {  	v0 =	vmul.f32 v0, v1;
	v1 =	vmul.f32 v2, v3;
	v2 =	vld [tilespmem:s22+$0xFFFFFFF0]  }
0xb1: {  	v3 =	vld [tilespmem:s21+$0xFFFFFF90]  }
0xb2: {  	v0 =	vadd.f32 v1, v0;
	v1 =	vmul.f32 v5, v4;
	v4 =	vld [tilespmem:s22+$0x0]  }
0xb3: {  	v5 =	vld [tilespmem:s21+$0x10]  }
0xb4: {  	v0 =	vadd.f32 v1, v0;
	v1 =	vmul.f32 v7, v6;
	v6 =	vld [tilespmem:s22+$0x10]  }
0xb5: {  	v7 =	vld [tilespmem:s21+$0x90]  }
0xb6: {  	v0 =	vadd.f32 v1, v0;
	v1 =	vmul.f32 v3, v2;
	v2 =	vld [tilespmem:s22+$0x20]  }
0xb7: {  	v3 =	vld [tilespmem:s21+$0x110]  }
0xb8: {  	v0 =	vadd.f32 v1, v0;
	v1 =	vmul.f32 v5, v4;
	v4 =	vld [tilespmem:s24+$0x9300]  }
0xb9: {  	v5 =	vld [tilespmem:s21+$0x190]  }
0xba: {  	v0 =	vadd.f32 v1, v0;
	v1 =	vmul.f32 v7, v6;
	v6 =	vld [tilespmem:s22+$0x40]  }
0xbb: {  	v7 =	vld [tilespmem:s21+$0x210]  }
0xbc: {  	v0 =	vadd.f32 v1, v0;
	v1 =	vmul.f32 v3, v2;
	_ =	sdelay $0x1  }
0xbd: {  	v0 =	vadd.f32 v1, v0;
	v1 =	vmul.f32 v5, v4;
	_ =	sdelay $0x1  }
0xbe: {  	v0 =	vadd.f32 v1, v0;
	v1 =	vmul.f32 v7, v6;
	_ =	sdelay $0x1  }
0xbf: {  	v0 =	vadd.f32 v1, v0;
	_ =	sdelay $0x1  }
0xc0: {  	[tilespmem:s23+$0x10] =	vst v0  }
0xc1: {  	v0 =	vld [tilespmem:s22+$0xFFFFFFB0]  }
0xc2: {  	v1 =	vld [tilespmem:$0x9260]  }
0xc3: {  	v2 =	vld [tilespmem:s21+$0xFFFFFE20]  }
0xc4: {  	v3 =	vld [tilespmem:s22+$0xFFFFFFC0]  }
0xc5: {  	v4 =	vld [tilespmem:s22+$0xFFFFFFD0]  }
0xc6: {  	v5 =	vld [tilespmem:s21+$0xFFFFFEA0]  }
0xc7: {  	v6 =	vld [tilespmem:s22+$0xFFFFFFE0]  }
0xc8: {  	v7 =	vld [tilespmem:s21+$0xFFFFFF20]  }
0xc9: {  	v0 =	vmul.f32 v1, v0;
	v1 =	vmul.f32 v2, v3;
	v2 =	vld [tilespmem:s22+$0xFFFFFFF0]  }
0xca: {  	v3 =	vld [tilespmem:s21+$0xFFFFFFA0]  }
0xcb: {  	v0 =	vadd.f32 v1, v0;
	v1 =	vmul.f32 v5, v4;
	v4 =	vld [tilespmem:s22+$0x0]  }
0xcc: {  	v5 =	vld [tilespmem:s21+$0x20]  }
0xcd: {  	v0 =	vadd.f32 v1, v0;
	v1 =	vmul.f32 v7, v6;
	v6 =	vld [tilespmem:s22+$0x10]  }
0xce: {  	v7 =	vld [tilespmem:s21+$0xA0]  }
0xcf: {  	v0 =	vadd.f32 v1, v0;
	v1 =	vmul.f32 v3, v2;
	v2 =	vld [tilespmem:s22+$0x20]  }
0xd0: {  	v3 =	vld [tilespmem:s21+$0x120]  }
0xd1: {  	v0 =	vadd.f32 v1, v0;
	v1 =	vmul.f32 v5, v4;
	v4 =	vld [tilespmem:s24+$0x9300]  }
0xd2: {  	v5 =	vld [tilespmem:s21+$0x1A0]  }
0xd3: {  	v0 =	vadd.f32 v1, v0;
	v1 =	vmul.f32 v7, v6;
	v6 =	vld [tilespmem:s22+$0x40]  }
0xd4: {  	v7 =	vld [tilespmem:s21+$0x220]  }
0xd5: {  	v0 =	vadd.f32 v1, v0;
	v1 =	vmul.f32 v3, v2;
	_ =	sdelay $0x1  }
0xd6: {  	v0 =	vadd.f32 v1, v0;
	v1 =	vmul.f32 v5, v4;
	_ =	sdelay $0x1  }
0xd7: {  	v0 =	vadd.f32 v1, v0;
	v1 =	vmul.f32 v7, v6;
	_ =	sdelay $0x1  }
0xd8: {  	v0 =	vadd.f32 v1, v0;
	_ =	sdelay $0x1  }
0xd9: {  	[tilespmem:s23+$0x20] =	vst v0  }
0xda: {  	v0 =	vld [tilespmem:s22+$0xFFFFFFD0]  }
0xdb: {  	v3 =	vld [tilespmem:s22+$0xFFFFFFB0]  }
0xdc: {  	v1 =	vld [tilespmem:s21+$0xFFFFFEB0]  }
0xdd: {  	v4 =	vld [tilespmem:s21+$0xFFFFFE30]  }
0xde: {  	v6 =	vld [tilespmem:$0x9270]  }
0xdf: {  	s28 =	simm.s32 $0xA0;
	v5 =	vld [tilespmem:s22+$0xFFFFFFC0]  }
0xe0: {  	s29 =	simm.s32 $0x440;
	s26 =	simm.s32 $0x92D0;
	s25 =	simm.s32 $0xA6C0;
	v2 =	vld [tilespmem:s22+$0xFFFFFFE0]  }
.LBB2_2:
0xe1: {  	v7 =	vld [tilespmem:s21+$0xFFFFFF30];
	s23 =	sadd.s32 $0x80, s23;
	s29 =	sadd.s32 $0x480, s29;
	s22 =	sadd.s32 $0xA0, s22  }
0xe2: {  	p0 =	sne.s32 s28, $0x1360;
	s30 =	smov.u32 s28;
	s28 =	sadd.s32 $0xA0, s28;
	v8 =	vld [tilespmem:s26+$0xFFFFFFF0]  }
0xe3: {  	v0 =	vmul.f32 v1, v0;
	v3 =	vmul.f32 v6, v3;
	v1 =	vld [tilespmem:s21+$0xFFFFFFB0]  }
0xe4: {  	v4 =	vmul.f32 v4, v5;
	v5 =	vld [tilespmem:s26+$0x0]  }
0xe5: {  	v6 =	vld [tilespmem:s21+$0x30]  }
0xe6: {  	v3 =	vadd.f32 v4, v3;
	v2 =	vmul.f32 v7, v2;
	v4 =	vld [tilespmem:s26+$0x10]  }
0xe7: {  	v7 =	vld [tilespmem:s21+$0xB0]  }
0xe8: {  	v0 =	vadd.f32 v0, v3;
	v1 =	vmul.f32 v1, v8;
	v3 =	vld [tilespmem:s26+$0x20]  }
0xe9: {  	v8 =	vld [tilespmem:s21+$0x130]  }
0xea: {  	v0 =	vadd.f32 v2, v0;
	v2 =	vmul.f32 v6, v5;
	v5 =	vld [tilespmem:s24+$0x9300]  }
0xeb: {  	v6 =	vld [tilespmem:s21+$0x1B0]  }
0xec: {  	v0 =	vadd.f32 v1, v0;
	v1 =	vmul.f32 v7, v4;
	v4 =	vld [tilespmem:s26+$0x40];
	s26 =	smov.u32 s22  }
0xed: {  	v7 =	vld [tilespmem:s21+$0x230];
	s21 =	smov.u32 s29  }
0xee: {  	v0 =	vadd.f32 v2, v0  }
0xef: {  	v2 =	vmul.f32 v8, v3  }
0xf0: {  	v0 =	vadd.f32 v1, v0  }
0xf1: {  	v1 =	vmul.f32 v6, v5  }
0xf2: {  	v0 =	vadd.f32 v2, v0;
	v2 =	vmul.f32 v7, v4;
	_ =	sdelay $0x1  }
0xf3: {  	v0 =	vadd.f32 v1, v0;
	_ =	sdelay $0x1  }
0xf4: {  	v0 =	vadd.f32 v2, v0;
	_ =	sdelay $0x1  }
0xf5: {  	[tilespmem:s25+$0x30] =	vst v0;
	s25 =	smov.u32 s23  }
0xf6: {  	v0 =	vld [tilespmem:s22+$0xFFFFFFB0]  }
0xf7: {  	v1 =	vld [tilespmem:s29+$0xFFFFFDC0]  }
0xf8: {  	v2 =	vld [tilespmem:s22+$0xFFFFFFC0]  }
0xf9: {  	v3 =	vld [tilespmem:$0x9200]  }
0xfa: {  	v4 =	vld [tilespmem:s29+$0xFFFFFE40]  }
0xfb: {  	v5 =	vld [tilespmem:s22+$0xFFFFFFD0]  }
0xfc: {  	v6 =	vld [tilespmem:s29+$0xFFFFFEC0]  }
0xfd: {  	v1 =	vmul.f32 v1, v2;
	v2 =	vld [tilespmem:s22+$0xFFFFFFE0]  }
0xfe: {  	v0 =	vmul.f32 v3, v0;
	v3 =	vld [tilespmem:s29+$0xFFFFFF40]  }
0xff: {  	v7 =	vld [tilespmem:s22+$0xFFFFFFF0]  }
0x100: {  	v0 =	vadd.f32 v1, v0;
	v1 =	vmul.f32 v4, v5;
	v4 =	vld [tilespmem:s29+$0xFFFFFFC0]  }
0x101: {  	v5 =	vld [tilespmem:s22+$0x0]  }
0x102: {  	v0 =	vadd.f32 v1, v0;
	v1 =	vmul.f32 v6, v2;
	v2 =	vld [tilespmem:s29+$0x40]  }
0x103: {  	v6 =	vld [tilespmem:s22+$0x10]  }
0x104: {  	v0 =	vadd.f32 v1, v0;
	v1 =	vmul.f32 v3, v7;
	v3 =	vld [tilespmem:s29+$0xC0]  }
0x105: {  	v7 =	vld [tilespmem:s22+$0x20]  }
0x106: {  	s24 =	sand.u32 $0x1FE0, s30;
	v0 =	vadd.f32 v1, v0;
	v1 =	vmul.f32 v4, v5;
	v4 =	vld [tilespmem:s29+$0x140]  }
0x107: {  	v5 =	vld [tilespmem:s24+$0x9300]  }
0x108: {  	v0 =	vadd.f32 v1, v0;
	v1 =	vmul.f32 v2, v6;
	v2 =	vld [tilespmem:s29+$0x1C0]  }
0x109: {  	v6 =	vld [tilespmem:s22+$0x40]  }
0x10a: {  	v0 =	vadd.f32 v1, v0;
	v1 =	vmul.f32 v3, v7;
	_ =	sdelay $0x1  }
0x10b: {  	v0 =	vadd.f32 v1, v0;
	v1 =	vmul.f32 v4, v5;
	_ =	sdelay $0x1  }
0x10c: {  	v0 =	vadd.f32 v1, v0;
	v1 =	vmul.f32 v2, v6;
	_ =	sdelay $0x1  }
0x10d: {  	v0 =	vadd.f32 v1, v0;
	_ =	sdelay $0x1  }
0x10e: {  	[tilespmem:s23+$0xFFFFFFC0] =	vst v0  }
0x10f: {  	v0 =	vld [tilespmem:s29+$0xFFFFFDD0]  }
0x110: {  	v1 =	vld [tilespmem:s22+$0xFFFFFFB0]  }
0x111: {  	v2 =	vld [tilespmem:s22+$0xFFFFFFC0]  }
0x112: {  	v3 =	vld [tilespmem:$0x9210]  }
0x113: {  	v4 =	vld [tilespmem:s29+$0xFFFFFE50]  }
0x114: {  	v5 =	vld [tilespmem:s22+$0xFFFFFFD0]  }
0x115: {  	v6 =	vld [tilespmem:s29+$0xFFFFFED0]  }
0x116: {  	v0 =	vmul.f32 v0, v2;
	v2 =	vld [tilespmem:s22+$0xFFFFFFE0]  }
0x117: {  	v1 =	vmul.f32 v3, v1;
	v3 =	vld [tilespmem:s29+$0xFFFFFF50]  }
0x118: {  	v7 =	vld [tilespmem:s22+$0xFFFFFFF0]  }
0x119: {  	v0 =	vadd.f32 v0, v1;
	v1 =	vmul.f32 v4, v5;
	v4 =	vld [tilespmem:s29+$0xFFFFFFD0]  }
0x11a: {  	v5 =	vld [tilespmem:s22+$0x0]  }
0x11b: {  	v0 =	vadd.f32 v1, v0;
	v1 =	vmul.f32 v6, v2;
	v2 =	vld [tilespmem:s29+$0x50]  }
0x11c: {  	v6 =	vld [tilespmem:s22+$0x10]  }
0x11d: {  	v0 =	vadd.f32 v1, v0;
	v1 =	vmul.f32 v3, v7;
	v3 =	vld [tilespmem:s29+$0xD0]  }
0x11e: {  	v7 =	vld [tilespmem:s22+$0x20]  }
0x11f: {  	v0 =	vadd.f32 v1, v0;
	v1 =	vmul.f32 v4, v5;
	v4 =	vld [tilespmem:s29+$0x150]  }
0x120: {  	v5 =	vld [tilespmem:s24+$0x9300]  }
0x121: {  	v0 =	vadd.f32 v1, v0;
	v1 =	vmul.f32 v2, v6;
	v2 =	vld [tilespmem:s29+$0x1D0]  }
0x122: {  	v6 =	vld [tilespmem:s22+$0x40]  }
0x123: {  	v0 =	vadd.f32 v1, v0;
	v1 =	vmul.f32 v3, v7;
	_ =	sdelay $0x1  }
0x124: {  	v0 =	vadd.f32 v1, v0;
	v1 =	vmul.f32 v4, v5;
	_ =	sdelay $0x1  }
0x125: {  	v0 =	vadd.f32 v1, v0;
	v1 =	vmul.f32 v2, v6;
	_ =	sdelay $0x1  }
0x126: {  	v0 =	vadd.f32 v1, v0;
	_ =	sdelay $0x1  }
0x127: {  	[tilespmem:s23+$0xFFFFFFD0] =	vst v0  }
0x128: {  	v0 =	vld [tilespmem:s22+$0xFFFFFFB0]  }
0x129: {  	v1 =	vld [tilespmem:$0x9220]  }
0x12a: {  	v2 =	vld [tilespmem:s29+$0xFFFFFDE0]  }
0x12b: {  	v3 =	vld [tilespmem:s22+$0xFFFFFFC0]  }
0x12c: {  	v4 =	vld [tilespmem:s22+$0xFFFFFFD0]  }
0x12d: {  	v5 =	vld [tilespmem:s29+$0xFFFFFE60]  }
0x12e: {  	v0 =	vmul.f32 v1, v0;
	v1 =	vld [tilespmem:s22+$0xFFFFFFE0]  }
0x12f: {  	v6 =	vld [tilespmem:s29+$0xFFFFFEE0]  }
0x130: {  	v2 =	vmul.f32 v2, v3;
	v3 =	vld [tilespmem:s29+$0xFFFFFF60]  }
0x131: {  	v7 =	vld [tilespmem:s22+$0xFFFFFFF0]  }
0x132: {  	v0 =	vadd.f32 v2, v0;
	v2 =	vmul.f32 v5, v4;
	v4 =	vld [tilespmem:s29+$0xFFFFFFE0]  }
0x133: {  	v5 =	vld [tilespmem:s22+$0x0]  }
0x134: {  	v0 =	vadd.f32 v2, v0;
	v1 =	vmul.f32 v6, v1;
	v2 =	vld [tilespmem:s29+$0x60]  }
0x135: {  	v6 =	vld [tilespmem:s22+$0x10]  }
0x136: {  	v0 =	vadd.f32 v1, v0;
	v1 =	vmul.f32 v3, v7;
	v3 =	vld [tilespmem:s29+$0xE0]  }
0x137: {  	v7 =	vld [tilespmem:s22+$0x20]  }
0x138: {  	v0 =	vadd.f32 v1, v0;
	v1 =	vmul.f32 v4, v5;
	v4 =	vld [tilespmem:s29+$0x160]  }
0x139: {  	v5 =	vld [tilespmem:s24+$0x9300]  }
0x13a: {  	v0 =	vadd.f32 v1, v0;
	v1 =	vmul.f32 v2, v6;
	v2 =	vld [tilespmem:s29+$0x1E0]  }
0x13b: {  	v6 =	vld [tilespmem:s22+$0x40]  }
0x13c: {  	v0 =	vadd.f32 v1, v0;
	v1 =	vmul.f32 v3, v7;
	_ =	sdelay $0x1  }
0x13d: {  	v0 =	vadd.f32 v1, v0;
	v1 =	vmul.f32 v4, v5;
	_ =	sdelay $0x1  }
0x13e: {  	v0 =	vadd.f32 v1, v0;
	v1 =	vmul.f32 v2, v6;
	_ =	sdelay $0x1  }
0x13f: {  	v0 =	vadd.f32 v1, v0;
	_ =	sdelay $0x1  }
0x140: {  	[tilespmem:s23+$0xFFFFFFE0] =	vst v0  }
0x141: {  	v0 =	vld [tilespmem:s29+$0xFFFFFDF0]  }
0x142: {  	v1 =	vld [tilespmem:s22+$0xFFFFFFB0]  }
0x143: {  	v2 =	vld [tilespmem:$0x9230]  }
0x144: {  	v3 =	vld [tilespmem:s22+$0xFFFFFFC0]  }
0x145: {  	v4 =	vld [tilespmem:s22+$0xFFFFFFD0]  }
0x146: {  	v5 =	vld [tilespmem:s29+$0xFFFFFE70]  }
0x147: {  	v6 =	vld [tilespmem:s29+$0xFFFFFEF0]  }
0x148: {  	v1 =	vmul.f32 v2, v1;
	v2 =	vld [tilespmem:s22+$0xFFFFFFE0]  }
0x149: {  	v0 =	vmul.f32 v0, v3;
	v3 =	vld [tilespmem:s29+$0xFFFFFF70]  }
0x14a: {  	v7 =	vld [tilespmem:s22+$0xFFFFFFF0]  }
0x14b: {  	v0 =	vadd.f32 v0, v1;
	v1 =	vmul.f32 v5, v4;
	v4 =	vld [tilespmem:s29+$0xFFFFFFF0]  }
0x14c: {  	v5 =	vld [tilespmem:s22+$0x0]  }
0x14d: {  	v0 =	vadd.f32 v1, v0;
	v1 =	vmul.f32 v6, v2;
	v2 =	vld [tilespmem:s29+$0x70]  }
0x14e: {  	v6 =	vld [tilespmem:s22+$0x10]  }
0x14f: {  	v0 =	vadd.f32 v1, v0;
	v1 =	vmul.f32 v3, v7;
	v3 =	vld [tilespmem:s29+$0xF0]  }
0x150: {  	v7 =	vld [tilespmem:s22+$0x20]  }
0x151: {  	v0 =	vadd.f32 v1, v0;
	v1 =	vmul.f32 v4, v5;
	v4 =	vld [tilespmem:s29+$0x170]  }
0x152: {  	v5 =	vld [tilespmem:s24+$0x9300]  }
0x153: {  	v0 =	vadd.f32 v1, v0;
	v1 =	vmul.f32 v2, v6;
	v2 =	vld [tilespmem:s29+$0x1F0]  }
0x154: {  	v6 =	vld [tilespmem:s22+$0x40]  }
0x155: {  	v0 =	vadd.f32 v1, v0;
	v1 =	vmul.f32 v3, v7;
	_ =	sdelay $0x1  }
0x156: {  	v0 =	vadd.f32 v1, v0;
	v1 =	vmul.f32 v4, v5;
	_ =	sdelay $0x1  }
0x157: {  	v0 =	vadd.f32 v1, v0;
	v1 =	vmul.f32 v2, v6;
	_ =	sdelay $0x1  }
0x158: {  	v0 =	vadd.f32 v1, v0;
	_ =	sdelay $0x1  }
0x159: {  	[tilespmem:s23+$0xFFFFFFF0] =	vst v0  }
0x15a: {  	v0 =	vld [tilespmem:$0x9240]  }
0x15b: {  	v1 =	vld [tilespmem:s22+$0xFFFFFFB0]  }
0x15c: {  	v2 =	vld [tilespmem:s29+$0xFFFFFE00]  }
0x15d: {  	v3 =	vld [tilespmem:s22+$0xFFFFFFC0]  }
0x15e: {  	v4 =	vld [tilespmem:s29+$0xFFFFFE80]  }
0x15f: {  	v5 =	vld [tilespmem:s22+$0xFFFFFFD0]  }
0x160: {  	v0 =	vmul.f32 v0, v1;
	v1 =	vld [tilespmem:s29+$0xFFFFFF00]  }
0x161: {  	v6 =	vld [tilespmem:s22+$0xFFFFFFE0]  }
0x162: {  	v2 =	vmul.f32 v2, v3;
	v3 =	vld [tilespmem:s29+$0xFFFFFF80]  }
0x163: {  	v7 =	vld [tilespmem:s22+$0xFFFFFFF0]  }
0x164: {  	v0 =	vadd.f32 v2, v0;
	v2 =	vmul.f32 v4, v5;
	v4 =	vld [tilespmem:s29+$0x0]  }
0x165: {  	v5 =	vld [tilespmem:s22+$0x0]  }
0x166: {  	v0 =	vadd.f32 v2, v0;
	v1 =	vmul.f32 v1, v6;
	v2 =	vld [tilespmem:s29+$0x80]  }
0x167: {  	v6 =	vld [tilespmem:s22+$0x10]  }
0x168: {  	v0 =	vadd.f32 v1, v0;
	v1 =	vmul.f32 v3, v7;
	v3 =	vld [tilespmem:s29+$0x100]  }
0x169: {  	v7 =	vld [tilespmem:s22+$0x20]  }
0x16a: {  	v0 =	vadd.f32 v1, v0;
	v1 =	vmul.f32 v4, v5;
	v4 =	vld [tilespmem:s29+$0x180]  }
0x16b: {  	v5 =	vld [tilespmem:s24+$0x9300]  }
0x16c: {  	v0 =	vadd.f32 v1, v0;
	v1 =	vmul.f32 v2, v6;
	v2 =	vld [tilespmem:s29+$0x200]  }
0x16d: {  	v6 =	vld [tilespmem:s22+$0x40]  }
0x16e: {  	v0 =	vadd.f32 v1, v0;
	v1 =	vmul.f32 v3, v7;
	_ =	sdelay $0x1  }
0x16f: {  	v0 =	vadd.f32 v1, v0;
	v1 =	vmul.f32 v4, v5;
	_ =	sdelay $0x1  }
0x170: {  	v0 =	vadd.f32 v1, v0;
	v1 =	vmul.f32 v2, v6;
	_ =	sdelay $0x1  }
0x171: {  	v0 =	vadd.f32 v1, v0;
	_ =	sdelay $0x1  }
0x172: {  	[tilespmem:s23+$0x0] =	vst v0  }
0x173: {  	v0 =	vld [tilespmem:$0x9250]  }
0x174: {  	v1 =	vld [tilespmem:s22+$0xFFFFFFB0]  }
0x175: {  	v2 =	vld [tilespmem:s29+$0xFFFFFE10]  }
0x176: {  	v3 =	vld [tilespmem:s22+$0xFFFFFFC0]  }
0x177: {  	v4 =	vld [tilespmem:s22+$0xFFFFFFD0]  }
0x178: {  	v5 =	vld [tilespmem:s29+$0xFFFFFE90]  }
0x179: {  	v0 =	vmul.f32 v0, v1;
	v1 =	vld [tilespmem:s22+$0xFFFFFFE0]  }
0x17a: {  	v6 =	vld [tilespmem:s29+$0xFFFFFF10]  }
0x17b: {  	v2 =	vmul.f32 v2, v3;
	v3 =	vld [tilespmem:s22+$0xFFFFFFF0]  }
0x17c: {  	v7 =	vld [tilespmem:s29+$0xFFFFFF90]  }
0x17d: {  	v0 =	vadd.f32 v2, v0;
	v2 =	vmul.f32 v5, v4;
	v4 =	vld [tilespmem:s22+$0x0]  }
0x17e: {  	v5 =	vld [tilespmem:s29+$0x10]  }
0x17f: {  	v0 =	vadd.f32 v2, v0;
	v1 =	vmul.f32 v6, v1;
	v2 =	vld [tilespmem:s22+$0x10]  }
0x180: {  	v6 =	vld [tilespmem:s29+$0x90]  }
0x181: {  	v0 =	vadd.f32 v1, v0;
	v1 =	vmul.f32 v7, v3;
	v3 =	vld [tilespmem:s22+$0x20]  }
0x182: {  	v7 =	vld [tilespmem:s29+$0x110]  }
0x183: {  	v0 =	vadd.f32 v1, v0;
	v1 =	vmul.f32 v5, v4;
	v4 =	vld [tilespmem:s24+$0x9300]  }
0x184: {  	v5 =	vld [tilespmem:s29+$0x190]  }
0x185: {  	v0 =	vadd.f32 v1, v0;
	v1 =	vmul.f32 v6, v2;
	v2 =	vld [tilespmem:s22+$0x40]  }
0x186: {  	v6 =	vld [tilespmem:s29+$0x210]  }
0x187: {  	v0 =	vadd.f32 v1, v0;
	v1 =	vmul.f32 v7, v3;
	_ =	sdelay $0x1  }
0x188: {  	v0 =	vadd.f32 v1, v0;
	v1 =	vmul.f32 v5, v4;
	_ =	sdelay $0x1  }
0x189: {  	v0 =	vadd.f32 v1, v0;
	v1 =	vmul.f32 v6, v2;
	_ =	sdelay $0x1  }
0x18a: {  	v0 =	vadd.f32 v1, v0;
	_ =	sdelay $0x1  }
0x18b: {  	[tilespmem:s23+$0x10] =	vst v0  }
0x18c: {  	v0 =	vld [tilespmem:s22+$0xFFFFFFB0]  }
0x18d: {  	v1 =	vld [tilespmem:$0x9260]  }
0x18e: {  	v2 =	vld [tilespmem:s29+$0xFFFFFE20]  }
0x18f: {  	v3 =	vld [tilespmem:s22+$0xFFFFFFC0]  }
0x190: {  	v4 =	vld [tilespmem:s22+$0xFFFFFFD0]  }
0x191: {  	v5 =	vld [tilespmem:s29+$0xFFFFFEA0]  }
0x192: {  	v0 =	vmul.f32 v1, v0;
	v1 =	vld [tilespmem:s22+$0xFFFFFFE0]  }
0x193: {  	v6 =	vld [tilespmem:s29+$0xFFFFFF20]  }
0x194: {  	v2 =	vmul.f32 v2, v3;
	v3 =	vld [tilespmem:s22+$0xFFFFFFF0]  }
0x195: {  	v7 =	vld [tilespmem:s29+$0xFFFFFFA0]  }
0x196: {  	v0 =	vadd.f32 v2, v0;
	v2 =	vmul.f32 v5, v4;
	v4 =	vld [tilespmem:s22+$0x0]  }
0x197: {  	v5 =	vld [tilespmem:s29+$0x20]  }
0x198: {  	v0 =	vadd.f32 v2, v0;
	v1 =	vmul.f32 v6, v1;
	v2 =	vld [tilespmem:s22+$0x10]  }
0x199: {  	v6 =	vld [tilespmem:s29+$0xA0]  }
0x19a: {  	v0 =	vadd.f32 v1, v0;
	v1 =	vmul.f32 v7, v3;
	v3 =	vld [tilespmem:s22+$0x20]  }
0x19b: {  	v7 =	vld [tilespmem:s29+$0x120]  }
0x19c: {  	v0 =	vadd.f32 v1, v0;
	v1 =	vmul.f32 v5, v4;
	v4 =	vld [tilespmem:s24+$0x9300]  }
0x19d: {  	v5 =	vld [tilespmem:s29+$0x1A0]  }
0x19e: {  	v0 =	vadd.f32 v1, v0;
	v1 =	vmul.f32 v6, v2;
	v2 =	vld [tilespmem:s22+$0x40]  }
0x19f: {  	v6 =	vld [tilespmem:s29+$0x220]  }
0x1a0: {  	v0 =	vadd.f32 v1, v0;
	v1 =	vmul.f32 v7, v3;
	_ =	sdelay $0x1  }
0x1a1: {  	v0 =	vadd.f32 v1, v0;
	v1 =	vmul.f32 v5, v4;
	_ =	sdelay $0x1  }
0x1a2: {  	v0 =	vadd.f32 v1, v0;
	v1 =	vmul.f32 v6, v2;
	_ =	sdelay $0x1  }
0x1a3: {  	v0 =	vadd.f32 v1, v0;
	_ =	sdelay $0x1  }
0x1a4: {  	[tilespmem:s23+$0x20] =	vst v0  }
0x1a5: {  	v0 =	vld [tilespmem:s22+$0xFFFFFFD0]  }
0x1a6: {  	v3 =	vld [tilespmem:s22+$0xFFFFFFB0]  }
.Ltmp0:
0x1a7: {  	v1 =	vld [tilespmem:s29+$0xFFFFFEB0];
	(pc) =	sbr.rel @p0 .LBB2_2-.Ltmp0, $4  }
0x1a8: {  	v4 =	vld [tilespmem:s29+$0xFFFFFE30]  }
0x1a9: {  	v6 =	vld [tilespmem:$0x9270]  }
0x1aa: {  	v5 =	vld [tilespmem:s22+$0xFFFFFFC0]  }
0x1ab: {  	v2 =	vld [tilespmem:s22+$0xFFFFFFE0]  }
0x1ac: {  	_ =	sdelay $0x1  }
0x1ad: {  	v7 =	vld [tilespmem:s21+$0xFFFFFF30]  }
0x1ae: {  	v8 =	vld [tilespmem:s26+$0xFFFFFFF0];
	v3 =	vmul.f32 v6, v3;
	v4 =	vmul.f32 v4, v5  }
0x1af: {  	v52 =	vld [tilespmem:s21+$0xFFFFFFB0]  }
0x1b0: {  	v0 =	vmul.f32 v1, v0;
	v53 =	vld [tilespmem:s26+$0x0];
	v3 =	vadd.f32 v4, v3  }
0x1b1: {  	v54 =	vld [tilespmem:s21+$0x30]  }
0x1b2: {  	v55 =	vld [tilespmem:s26+$0x10];
	v2 =	vmul.f32 v7, v2;
	v0 =	vadd.f32 v0, v3  }
0x1b3: {  	v56 =	vld [tilespmem:s21+$0xB0]  }
0x1b4: {  	v57 =	vld [tilespmem:s26+$0x20];
	v5 =	vmul.f32 v52, v8;
	v0 =	vadd.f32 v2, v0  }
0x1b5: {  	v58 =	vld [tilespmem:s21+$0x130]  }
0x1b6: {  	v59 =	vld [tilespmem:s24+$0x9300];
	v1 =	vmul.f32 v54, v53;
	v0 =	vadd.f32 v5, v0  }
0x1b7: {  	v60 =	vld [tilespmem:s21+$0x1B0]  }
0x1b8: {  	v61 =	vld [tilespmem:s26+$0x40];
	v3 =	vmul.f32 v56, v55;
	v0 =	vadd.f32 v1, v0  }
0x1b9: {  	v62 =	vld [tilespmem:s21+$0x230]  }
0x1ba: {  	v2 =	vmul.f32 v58, v57;
	v0 =	vadd.f32 v3, v0;
	_ =	sdelay $0x1  }
0x1bb: {  	v63 =	vmul.f32 v60, v59;
	v0 =	vadd.f32 v2, v0;
	_ =	sdelay $0x1  }
0x1bc: {  	v1 =	vmul.f32 v62, v61;
	v0 =	vadd.f32 v63, v0;
	_ =	sdelay $0x1  }
0x1bd: {  	s20 =	sadd.s32 $0x1, s20;
	v0 =	vadd.f32 v1, v0  }
0x1be: {  	p0 =	sne.s32 s20, s7  }
.Ltmp1:
0x1bf: {  	[tilespmem:s25+$0x30] =	vst v0;
	(pc) =	sbr.rel @p0 .LBB2_1-.Ltmp1, $4  }
0x1c0: {  	[hbm4b:s6+s3] =	stream.linear.scatter [tilespmem:s19], [sflag:$0x2], $0x1000, $0x38;
	[tilespmem:$0xB680] =	vst v63  }
0x1c1: {  	_ =	swait.ge [sflag:s8], $0x1000  }
0x1c2: {  	[sflag:s8] =	ssyncset.done $0x0  }
0x1c3: {  	[sflag:s8] =	ssyncadd.s32 $0xFFFFF000  }
0x1c4: {  	_ =	sfence.sel $0x180000  }
0x1c5: {  	[bflag:$0x0] =	sbarrier.arrive $0xFFFF  }
0x1c6: {  	p0 =	sne.s32 s0, $0x0;
	_ =	strace $0x90000047  }
0x1c7: {  	s0 =	sadd.s32 @!p0 $0x100000, s2;
	[bflag:$0x2] =	sbarrier.arrive $0xFFFF  }
0x1c8: {  	[sflag:s0] =	ssyncadd.tile.s32 @!p0 $0x1;
	_ =	shalt  }
.Lfunc_end2:
_tile_overlayer_lowered:
.L_overlay_start_2:
0x1c9: {  	(tag) =	ssettag $0x2  }
0x1ca: {  	s0 =	rddreg [dreg:$0x0];
	s2 =	stileid.u32  }
0x1cb: {  	s1 =	rddreg [dreg:$0x1];
	p0 =	sne.s32 s2, $0x0  }
0x1cc: {  	s3 =	rddreg [dreg:$0x2];
	[bflag:$0x3] =	sbarrier.arrive $0xFFFF;
	s2 =	simm.s32 @!p0 $0x1C02  }
0x1cd: {  	[timem:s3], [sflag:s2] =	dma.local @!p0 [hbm:s0], s1  }
0x1ce: {  	s0 =	simm.s32 @!p0 $0x2  }
0x1cf: {  	_ =	swait.ge @!p0 [sflag:s0], s1  }
0x1d0: {  	s1 =	ssub.s32 @!p0 $0x0, s1;
	[sflag:s0] =	ssyncset.done @!p0 $0x0  }
0x1d1: {  	[sflag:s0] =	ssyncadd.s32 @!p0 s1  }
0x1d2: {  	[bflag:$0x3] =	sbarrier.arrive $0xFFFF  }
0x1d3: {  	_ =	shalt  }

</sc_bundles>
